<compile_context>
chip_gen: v7x
topology: tpu7x:2x2x1
jax: 0.10.2.dev20260603
libtpu: 0.0.44.dev20260713+nightly
codegen_flags: <defaults>
</compile_context>

<pallas_src>
import functools

import jax
import jax.numpy as jnp
from jax import lax
from jax.experimental import pallas as pl
from jax.experimental.pallas import tpu as pltpu
from jax.experimental.pallas import tpu_sc as plsc

N = 10000
E = 320000
D = 128
DH = D // 2
NC, NS = 2, 16
CW = 625
ET = E // NS
NCHT = ET // CW
NCHH = NCHT // NC
NPAD = 10240
RT = NPAD // NS
BN_EPS = 1e-5

_mesh = plsc.VectorSubcoreMesh(core_axis_name="c", subcore_axis_name="s")


DW = 16


@functools.partial(
    pl.kernel,
    out_type=jax.ShapeDtypeStruct((NC, NPAD, 8), jnp.float32),
    mesh=_mesh,
    scratch_types=[
        pltpu.VMEM((NCHH, CW), jnp.int32),
        pltpu.VMEM((CW, DW), jnp.float32),
        pltpu.VMEM_SHARED((NPAD, DW), jnp.float32),
        pltpu.SemaphoreType.DMA,
    ],
    compiler_params=pltpu.CompilerParams(use_tc_tiling_on_sc=False),
)
def _deg_kernel(ei_hbm, ones_hbm, zeros_hbm, deg_out, row_v, ones_v, deg_sp,
                ssem):
    cid = lax.axis_index("c")
    sid = lax.axis_index("s")
    pltpu.sync_copy(ei_hbm.at[0, sid, pl.ds(cid * NCHH, NCHH)], row_v)
    pltpu.sync_copy(ones_hbm, ones_v)
    pltpu.sync_copy(zeros_hbm, deg_sp.at[pl.ds(sid * RT, RT)])
    plsc.subcore_barrier()

    @pl.loop(0, NCHH)
    def _fire(j):
        pltpu.async_copy(ones_v, deg_sp.at[row_v.at[j]], ssem, add=True)

    @pl.loop(0, NCHH)
    def _drain(j):
        pltpu.make_async_copy(ones_v, deg_sp.at[row_v.at[j]], ssem).wait()

    plsc.subcore_barrier()
    pltpu.sync_copy(deg_sp.at[pl.ds(sid * RT, RT), pl.ds(0, 8)],
                    deg_out.at[cid, pl.ds(sid * RT, RT)])


assert NCHT % 4 == 0


@functools.partial(
    pl.kernel,
    out_type=jax.ShapeDtypeStruct((NC, NPAD, DH), jnp.float32),
    mesh=_mesh,
    scratch_types=[
        pltpu.VMEM((4, CW), jnp.int32),
        pltpu.VMEM((4, CW), jnp.int32),
        pltpu.VMEM((CW, DH), jnp.float32),
        pltpu.VMEM((CW, DH), jnp.float32),
        pltpu.VMEM_SHARED((NPAD, DH), jnp.float32),
        pltpu.SemaphoreType.DMA,
        pltpu.SemaphoreType.DMA,
        pltpu.SemaphoreType.DMA,
    ],
    compiler_params=pltpu.CompilerParams(use_tc_tiling_on_sc=False),
)
def _msg_kernel(yh_hbm, ei_hbm, zeros_hbm, z_out,
                row_v, col_v, gbuf0, gbuf1, z_sp, gsem, ssem, isem):
    cid = lax.axis_index("c")
    sid = lax.axis_index("s")
    y_src = yh_hbm.at[cid]
    pltpu.sync_copy(ei_hbm.at[0, sid, 0], row_v.at[0])
    pltpu.sync_copy(ei_hbm.at[1, sid, 0], col_v.at[0])
    for k in (1, 2):
        pltpu.async_copy(ei_hbm.at[0, sid, k], row_v.at[k], isem)
        pltpu.async_copy(ei_hbm.at[1, sid, k], col_v.at[k], isem)
    pltpu.sync_copy(zeros_hbm, z_sp.at[pl.ds(sid * RT, RT)])
    plsc.subcore_barrier()

    bufs = (gbuf0, gbuf1)
    pltpu.async_copy(y_src.at[row_v.at[0]], gbuf0, gsem)

    @pl.loop(0, NCHT, step=4)
    def _chunks(j):
        for u in range(4):
            jj = j + u
            buf = bufs[u % 2]
            nbuf = bufs[(u + 1) % 2]
            i_cur, i_nxt, i_old = u, (u + 1) % 4, (u + 3) % 4
            pltpu.make_async_copy(y_src.at[row_v.at[i_cur]], buf, gsem).wait()
            pltpu.async_copy(buf, z_sp.at[col_v.at[i_cur]], ssem, add=True)

            @pl.when(jj >= 1)
            def _drain_prev():
                pltpu.make_async_copy(
                    nbuf, z_sp.at[col_v.at[i_old]], ssem).wait()

            @pl.when(jj + 1 < NCHT)
            def _prefetch():
                pltpu.make_async_copy(
                    ei_hbm.at[0, sid, jj + 1], row_v.at[i_nxt], isem).wait()
                pltpu.make_async_copy(
                    ei_hbm.at[1, sid, jj + 1], col_v.at[i_nxt], isem).wait()
                pltpu.async_copy(y_src.at[row_v.at[i_nxt]], nbuf, gsem)

            @pl.when(jj + 3 < NCHT)
            def _stage_idx():
                pltpu.async_copy(ei_hbm.at[0, sid, jj + 3], row_v.at[i_old],
                                 isem)
                pltpu.async_copy(ei_hbm.at[1, sid, jj + 3], col_v.at[i_old],
                                 isem)

    pltpu.make_async_copy(bufs[(NCHT - 1) % 2],
                          z_sp.at[col_v.at[3]], ssem).wait()
    plsc.subcore_barrier()
    pltpu.sync_copy(z_sp.at[pl.ds(sid * RT, RT)],
                    z_out.at[cid, pl.ds(sid * RT, RT)])


_TB = 2000


def _lin_body(x_ref, w_ref, b_ref, degs_ref, yh_ref, dis_ref):
    xw = lax.dot_general(x_ref[...], w_ref[...], (((1,), (1,)), ((), ())),
                         preferred_element_type=jnp.float32)
    xw = xw + b_ref[...]
    deg = degs_ref[0, :, 0] + degs_ref[1, :, 0] + 1.0
    dis = lax.rsqrt(deg)[:, None]
    y = dis * xw
    yh_ref[0] = y[:, :DH]
    yh_ref[1] = y[:, DH:]
    dis_ref[...] = dis


def _lin_call(x, W, b2, deg_parts):
    return pl.pallas_call(
        _lin_body,
        grid=(N // _TB,),
        in_specs=[
            pl.BlockSpec((_TB, D), lambda i: (i, 0)),
            pl.BlockSpec((D, D), lambda i: (0, 0)),
            pl.BlockSpec((1, D), lambda i: (0, 0)),
            pl.BlockSpec((NC, _TB, 8), lambda i: (0, i, 0)),
        ],
        out_specs=[
            pl.BlockSpec((NC, _TB, DH), lambda i: (0, i, 0)),
            pl.BlockSpec((_TB, 1), lambda i: (i, 0)),
        ],
        out_shape=[
            jax.ShapeDtypeStruct((NC, N, DH), jnp.float32),
            jax.ShapeDtypeStruct((N, 1), jnp.float32),
        ],
    )(x, W, b2, deg_parts)


def _bn_body(zp_ref, yh_ref, dis_ref, g_ref, be_ref, o_ref):
    tl = zp_ref[0, :N, :] + yh_ref[0]
    tr = zp_ref[1, :N, :] + yh_ref[1]
    t = jnp.concatenate([tl, tr], axis=1) * dis_ref[...]
    m = jnp.mean(t, axis=0, keepdims=True)
    d = t - m
    v = jnp.mean(d * d, axis=0, keepdims=True)
    o_ref[...] = jnp.maximum(
        d * lax.rsqrt(v + BN_EPS) * g_ref[...] + be_ref[...], 0.0)


def _bn_call(z_parts, yh, dis, g2, be2):
    return pl.pallas_call(
        _bn_body,
        out_shape=jax.ShapeDtypeStruct((N, D), jnp.float32),
    )(z_parts, yh, dis, g2, be2)


def kernel(x, edge_index, W, b, bn_gamma, bn_beta):
    eic = edge_index.astype(jnp.int32).reshape(2, NS, NCHT, CW)
    zeros = jnp.zeros((RT, DH), jnp.float32)
    ones8 = jnp.ones((CW, DW), jnp.float32)
    zeros8 = jnp.zeros((RT, DW), jnp.float32)

    deg_parts = _deg_kernel(eic, ones8, zeros8)
    yh, dis = _lin_call(x, W, b.reshape(1, D), deg_parts)
    z_parts = _msg_kernel(yh, eic, zeros)
    out = _bn_call(z_parts, yh, dis,
                   bn_gamma.reshape(1, D), bn_beta.reshape(1, D))
    return out

# --- scband reference (transcript-rebuilt; emitter-appended) ---
"""Pipeline reference for scband-gcnlayer-15685220565555 (READ-ONLY COPY).

The authoritative reference and input builder live on the scoring server;
editing this copy changes nothing except your own understanding.
"""

import jax, jax.numpy as jnp
import numpy as np

N, E, D_IN, D_OUT = 10000, 320000, 128, 128
BN_EPS = 1e-5


def setup_inputs(seed: int = 0) -> dict:
    key = jax.random.key(seed)
    k1, k2, k3 = jax.random.split(key, 3)
    x = jax.random.normal(k1, (N, D_IN), dtype=jnp.float32)
    edge_index = jax.random.randint(k2, (2, E), 0, N).astype(jnp.int64)
    bound = 1.0 / np.sqrt(D_IN)
    W = jax.random.uniform(k3, (D_OUT, D_IN), dtype=jnp.float32, minval=-bound, maxval=bound)
    b = jnp.zeros((D_OUT,), dtype=jnp.float32)
    bn_gamma = jnp.ones((D_OUT,), dtype=jnp.float32)
    bn_beta = jnp.zeros((D_OUT,), dtype=jnp.float32)
    return {"x": x, "edge_index": edge_index, "W": W, "b": b, "bn_gamma": bn_gamma, "bn_beta": bn_beta}


def reference(x, edge_index, W, b, bn_gamma, bn_beta):
    num_nodes = x.shape[0]
    # add self loops
    loop = jnp.arange(num_nodes, dtype=edge_index.dtype)
    ei = jnp.concatenate([edge_index, jnp.stack([loop, loop], axis=0)], axis=1)
    row, col = ei[0], ei[1]
    # symmetric normalization via degree of row
    deg = jnp.zeros((num_nodes,), dtype=jnp.float32).at[row].add(1.0)
    deg_inv_sqrt = jnp.power(deg, -0.5)
    deg_inv_sqrt = jnp.where(jnp.isinf(deg_inv_sqrt), 0.0, deg_inv_sqrt)
    norm = deg_inv_sqrt[row] * deg_inv_sqrt[col]
    # linear transform
    xw = x @ W.T + b
    # message passing: out[dst] += norm * xw[src]
    msgs = norm[:, None] * jnp.take(xw, row, axis=0)
    out = jnp.zeros_like(xw).at[col].add(msgs)
    # batch norm (training-mode batch statistics, matching torch default train())
    mean = jnp.mean(out, axis=0)
    var = jnp.var(out, axis=0)
    out = (out - mean) / jnp.sqrt(var + BN_EPS) * bn_gamma + bn_beta
    out = jax.nn.relu(out)
    return out

if __name__ == "__main__":
    import jax
    _d = setup_inputs()
    print(jax.jit(kernel)(*tuple(_d.values())))

</pallas_src>

<mosaic_0001>
#map = affine_map<(d0, d1) -> (0, 0, 0, 0)>
#map1 = affine_map<(d0, d1) -> (0, 0)>
#map2 = affine_map<(d0, d1) -> (0, 0, 0)>
module attributes {stable_mosaic.version = 14 : i64} {
  func.func @_deg_kernel(%arg0: i32, %arg1: i32, %arg2: memref<2x16x32x625xi32, #tpu.memory_space<hbm>>, %arg3: memref<625x16xf32, #tpu.memory_space<hbm>>, %arg4: memref<640x16xf32, #tpu.memory_space<hbm>>, %arg5: memref<2x10240x8xf32, #tpu.memory_space<hbm>>, %arg6: memref<16x625xi32, #tpu.memory_space<vmem>>, %arg7: memref<625x16xf32, #tpu.memory_space<vmem>>, %arg8: memref<10240x16xf32, #tpu.memory_space<vmem_shared>>, %arg9: memref<!tpu.dma_semaphore, #tpu.memory_space<semaphore_mem>>) attributes {dimension_semantics = [#tpu.dimension_semantics<core_parallel>, #tpu.dimension_semantics<subcore_parallel>], iteration_bounds = array<i64: 2, 16>, scalar_prefetch = 0 : i64, scratch_operands = 4 : i64, tpu.core_type = #tpu.core_type<sc_vector_subcore>, window_params = [{transform_indices = #map}, {transform_indices = #map1}, {transform_indices = #map1}, {transform_indices = #map2}]} {
    %mul3A = arith.constant 16 : i32
    %mul3A_0 = arith.muli %arg0, %mul3A : i32
    %run_scoped3A = arith.constant 0 : i32
    "tpu.region"() ({
      %run_scoped3A_17 = tpu.sem_alloc : memref<!tpu.dma_semaphore, #tpu.memory_space<semaphore_mem>>
      %dma_start3A = arith.constant 0 : i32
      %dma_start3A_18 = tpu.memref_slice %arg2[%run_scoped3A, %arg1, %mul3A_0, %dma_start3A] : memref<2x16x32x625xi32, #tpu.memory_space<hbm>> -> memref<1x1x16x625xi32, #tpu.memory_space<hbm>>
      %dma_start3A_19 = tpu.memref_squeeze %dma_start3A_18 : memref<1x1x16x625xi32, #tpu.memory_space<hbm>> -> memref<16x625xi32, #tpu.memory_space<hbm>>
      %dma_start3A_20 = arith.constant 0 : i32
      %dma_start3A_21 = tpu.memref_slice %arg2[%run_scoped3A, %arg1, %mul3A_0, %dma_start3A_20] : memref<2x16x32x625xi32, #tpu.memory_space<hbm>> -> memref<1x1x16x625xi32, #tpu.memory_space<hbm>>
      %dma_start3A_22 = tpu.memref_squeeze %dma_start3A_21 : memref<1x1x16x625xi32, #tpu.memory_space<hbm>> -> memref<16x625xi32, #tpu.memory_space<hbm>>
      tpu.enqueue_dma source(%dma_start3A_22 : memref<16x625xi32, #tpu.memory_space<hbm>>) target(%arg6 : memref<16x625xi32, #tpu.memory_space<vmem>>) target_semaphore(%run_scoped3A_17 : memref<!tpu.dma_semaphore, #tpu.memory_space<semaphore_mem>>)
      %dma_wait3A = arith.constant 0 : i32
      %dma_wait3A_23 = tpu.memref_slice %arg2[%run_scoped3A, %arg1, %mul3A_0, %dma_wait3A] : memref<2x16x32x625xi32, #tpu.memory_space<hbm>> -> memref<1x1x16x625xi32, #tpu.memory_space<hbm>>
      %dma_wait3A_24 = tpu.memref_squeeze %dma_wait3A_23 : memref<1x1x16x625xi32, #tpu.memory_space<hbm>> -> memref<16x625xi32, #tpu.memory_space<hbm>>
      %dma_wait3A_25 = arith.constant 0 : i32
      %dma_wait3A_26 = tpu.memref_slice %arg2[%run_scoped3A, %arg1, %mul3A_0, %dma_wait3A_25] : memref<2x16x32x625xi32, #tpu.memory_space<hbm>> -> memref<1x1x16x625xi32, #tpu.memory_space<hbm>>
      %dma_wait3A_27 = tpu.memref_squeeze %dma_wait3A_26 : memref<1x1x16x625xi32, #tpu.memory_space<hbm>> -> memref<16x625xi32, #tpu.memory_space<hbm>>
      tpu.wait_dma2 semaphore(%run_scoped3A_17 : memref<!tpu.dma_semaphore, #tpu.memory_space<semaphore_mem>>) src(%dma_wait3A_27 : memref<16x625xi32, #tpu.memory_space<hbm>>) dst(%arg6 : memref<16x625xi32, #tpu.memory_space<vmem>>)
      tpu.yield
    }) : () -> ()
    "tpu.region"() ({
      %run_scoped3A_17 = tpu.sem_alloc : memref<!tpu.dma_semaphore, #tpu.memory_space<semaphore_mem>>
      tpu.enqueue_dma source(%arg3 : memref<625x16xf32, #tpu.memory_space<hbm>>) target(%arg7 : memref<625x16xf32, #tpu.memory_space<vmem>>) target_semaphore(%run_scoped3A_17 : memref<!tpu.dma_semaphore, #tpu.memory_space<semaphore_mem>>)
      tpu.wait_dma2 semaphore(%run_scoped3A_17 : memref<!tpu.dma_semaphore, #tpu.memory_space<semaphore_mem>>) src(%arg3 : memref<625x16xf32, #tpu.memory_space<hbm>>) dst(%arg7 : memref<625x16xf32, #tpu.memory_space<vmem>>)
      tpu.yield
    }) : () -> ()
    %mul3A_1 = arith.constant 640 : i32
    %mul3A_2 = arith.muli %arg1, %mul3A_1 : i32
    "tpu.region"() ({
      %run_scoped3A_17 = tpu.sem_alloc : memref<!tpu.dma_semaphore, #tpu.memory_space<semaphore_mem>>
      %dma_start3A = arith.constant 0 : i32
      %dma_start3A_18 = tpu.memref_slice %arg8[%mul3A_2, %dma_start3A] : memref<10240x16xf32, #tpu.memory_space<vmem_shared>> -> memref<640x16xf32, #tpu.memory_space<vmem_shared>>
      tpu.enqueue_dma source(%arg4 : memref<640x16xf32, #tpu.memory_space<hbm>>) target(%dma_start3A_18 : memref<640x16xf32, #tpu.memory_space<vmem_shared>>) target_semaphore(%run_scoped3A_17 : memref<!tpu.dma_semaphore, #tpu.memory_space<semaphore_mem>>)
      %dma_wait3A = arith.constant 0 : i32
      %dma_wait3A_19 = tpu.memref_slice %arg8[%mul3A_2, %dma_wait3A] : memref<10240x16xf32, #tpu.memory_space<vmem_shared>> -> memref<640x16xf32, #tpu.memory_space<vmem_shared>>
      tpu.wait_dma2 semaphore(%run_scoped3A_17 : memref<!tpu.dma_semaphore, #tpu.memory_space<semaphore_mem>>) src(%arg4 : memref<640x16xf32, #tpu.memory_space<hbm>>) dst(%dma_wait3A_19 : memref<640x16xf32, #tpu.memory_space<vmem_shared>>)
      tpu.yield
    }) : () -> ()
    %barrier3A = arith.constant 0 : index
    tpu.barrier barrier_id(%barrier3A)
    %scan3A = arith.constant 0 : i32
    %scan3A_3 = arith.constant 16 : i32
    %scan3A_4 = arith.addi %scan3A, %scan3A_3 : i32
    %scan3A_5 = arith.constant 1 : i32
    scf.for %scan3A_17 = %scan3A to %scan3A_4 step %scan3A_5  : i32 {
      %mul3A_18 = arith.constant 1 : i32
      %mul3A_19 = arith.muli %scan3A_17, %mul3A_18 : i32
      %add3A = arith.constant 0 : i32
      %add3A_20 = arith.addi %add3A, %mul3A_19 : i32
      %dma_start3A = arith.constant 0 : i32
      %dma_start3A_21 = tpu.memref_slice %arg6[%add3A_20, %dma_start3A] : memref<16x625xi32, #tpu.memory_space<vmem>> -> memref<1x625xi32, #tpu.memory_space<vmem>>
      %dma_start3A_22 = tpu.memref_squeeze %dma_start3A_21 : memref<1x625xi32, #tpu.memory_space<vmem>> -> memref<625xi32, #tpu.memory_space<vmem>>
      %dma_start3A_23 = arith.constant 0 : i32
      %dma_start3A_24 = arith.constant 0 : i32
      %dma_start3A_25 = tpu.memref_slice %arg8[%dma_start3A_23, %dma_start3A_24] : memref<10240x16xf32, #tpu.memory_space<vmem_shared>> -> memref<10240x16xf32, #tpu.memory_space<vmem_shared>>
      tpu.enqueue_indirect_dma source(%arg7 : memref<625x16xf32, #tpu.memory_space<vmem>>) target(%dma_start3A_25 : memref<10240x16xf32, #tpu.memory_space<vmem_shared>>) offsets(%dma_start3A_22 : memref<625xi32, #tpu.memory_space<vmem>>) semaphore(%arg9 : memref<!tpu.dma_semaphore, #tpu.memory_space<semaphore_mem>>) {add = true}
    }
    %scan3A_6 = arith.constant 16 : i32
    %scan3A_7 = arith.constant 0 : i32
    %scan3A_8 = arith.constant 16 : i32
    %scan3A_9 = arith.addi %scan3A_7, %scan3A_8 : i32
    %scan3A_10 = arith.constant 1 : i32
    scf.for %scan3A_17 = %scan3A_7 to %scan3A_9 step %scan3A_10  : i32 {
      %mul3A_18 = arith.constant 1 : i32
      %mul3A_19 = arith.muli %scan3A_17, %mul3A_18 : i32
      %add3A = arith.constant 0 : i32
      %add3A_20 = arith.addi %add3A, %mul3A_19 : i32
      %dma_wait3A = arith.constant 0 : i32
      %dma_wait3A_21 = tpu.memref_slice %arg6[%add3A_20, %dma_wait3A] : memref<16x625xi32, #tpu.memory_space<vmem>> -> memref<1x625xi32, #tpu.memory_space<vmem>>
      %dma_wait3A_22 = tpu.memref_squeeze %dma_wait3A_21 : memref<1x625xi32, #tpu.memory_space<vmem>> -> memref<625xi32, #tpu.memory_space<vmem>>
      %dma_wait3A_23 = arith.constant 0 : i32
      %dma_wait3A_24 = arith.constant 0 : i32
      %dma_wait3A_25 = tpu.memref_slice %arg8[%dma_wait3A_23, %dma_wait3A_24] : memref<10240x16xf32, #tpu.memory_space<vmem_shared>> -> memref<10240x16xf32, #tpu.memory_space<vmem_shared>>
      tpu.wait_indirect_dma semaphore(%arg9 : memref<!tpu.dma_semaphore, #tpu.memory_space<semaphore_mem>>) src(%arg7 : memref<625x16xf32, #tpu.memory_space<vmem>>) dst(%dma_wait3A_25 : memref<10240x16xf32, #tpu.memory_space<vmem_shared>>)
    }
    %scan3A_11 = arith.constant 16 : i32
    %barrier3A_12 = arith.constant 0 : index
    tpu.barrier barrier_id(%barrier3A_12)
    %mul3A_13 = arith.constant 640 : i32
    %mul3A_14 = arith.muli %arg1, %mul3A_13 : i32
    %mul3A_15 = arith.constant 640 : i32
    %mul3A_16 = arith.muli %arg1, %mul3A_15 : i32
    "tpu.region"() ({
      %run_scoped3A_17 = tpu.sem_alloc : memref<!tpu.dma_semaphore, #tpu.memory_space<semaphore_mem>>
      %dma_start3A = arith.constant 0 : i32
      %dma_start3A_18 = tpu.memref_slice %arg5[%arg0, %mul3A_16, %dma_start3A] : memref<2x10240x8xf32, #tpu.memory_space<hbm>> -> memref<1x640x8xf32, #tpu.memory_space<hbm>>
      %dma_start3A_19 = tpu.memref_squeeze %dma_start3A_18 : memref<1x640x8xf32, #tpu.memory_space<hbm>> -> memref<640x8xf32, #tpu.memory_space<hbm>>
      %dma_start3A_20 = arith.constant 0 : i32
      %dma_start3A_21 = tpu.memref_slice %arg8[%mul3A_14, %dma_start3A_20] : memref<10240x16xf32, #tpu.memory_space<vmem_shared>> -> memref<640x8xf32, #tpu.memory_space<vmem_shared>>
      tpu.enqueue_dma source(%dma_start3A_21 : memref<640x8xf32, #tpu.memory_space<vmem_shared>>) target(%dma_start3A_19 : memref<640x8xf32, #tpu.memory_space<hbm>>) target_semaphore(%run_scoped3A_17 : memref<!tpu.dma_semaphore, #tpu.memory_space<semaphore_mem>>)
      %dma_wait3A = arith.constant 0 : i32
      %dma_wait3A_22 = tpu.memref_slice %arg5[%arg0, %mul3A_16, %dma_wait3A] : memref<2x10240x8xf32, #tpu.memory_space<hbm>> -> memref<1x640x8xf32, #tpu.memory_space<hbm>>
      %dma_wait3A_23 = tpu.memref_squeeze %dma_wait3A_22 : memref<1x640x8xf32, #tpu.memory_space<hbm>> -> memref<640x8xf32, #tpu.memory_space<hbm>>
      %dma_wait3A_24 = arith.constant 0 : i32
      %dma_wait3A_25 = tpu.memref_slice %arg8[%mul3A_14, %dma_wait3A_24] : memref<10240x16xf32, #tpu.memory_space<vmem_shared>> -> memref<640x8xf32, #tpu.memory_space<vmem_shared>>
      tpu.wait_dma2 semaphore(%run_scoped3A_17 : memref<!tpu.dma_semaphore, #tpu.memory_space<semaphore_mem>>) src(%dma_wait3A_25 : memref<640x8xf32, #tpu.memory_space<vmem_shared>>) dst(%dma_wait3A_23 : memref<640x8xf32, #tpu.memory_space<hbm>>)
      tpu.yield
    }) : () -> ()
    return
  }
}

#map = affine_map<(d0, d1) -> (0, 0, 0)>
#map1 = affine_map<(d0, d1) -> (0, 0, 0, 0)>
#map2 = affine_map<(d0, d1) -> (0, 0)>
module attributes {stable_mosaic.version = 14 : i64} {
  func.func @_msg_kernel(%arg0: i32, %arg1: i32, %arg2: memref<2x10000x64xf32, #tpu.memory_space<hbm>>, %arg3: memref<2x16x32x625xi32, #tpu.memory_space<hbm>>, %arg4: memref<640x64xf32, #tpu.memory_space<hbm>>, %arg5: memref<2x10240x64xf32, #tpu.memory_space<hbm>>, %arg6: memref<4x625xi32, #tpu.memory_space<vmem>>, %arg7: memref<4x625xi32, #tpu.memory_space<vmem>>, %arg8: memref<625x64xf32, #tpu.memory_space<vmem>>, %arg9: memref<625x64xf32, #tpu.memory_space<vmem>>, %arg10: memref<10240x64xf32, #tpu.memory_space<vmem_shared>>, %arg11: memref<!tpu.dma_semaphore, #tpu.memory_space<semaphore_mem>>, %arg12: memref<!tpu.dma_semaphore, #tpu.memory_space<semaphore_mem>>, %arg13: memref<!tpu.dma_semaphore, #tpu.memory_space<semaphore_mem>>) attributes {dimension_semantics = [#tpu.dimension_semantics<core_parallel>, #tpu.dimension_semantics<subcore_parallel>], iteration_bounds = array<i64: 2, 16>, scalar_prefetch = 0 : i64, scratch_operands = 8 : i64, tpu.core_type = #tpu.core_type<sc_vector_subcore>, window_params = [{transform_indices = #map}, {transform_indices = #map1}, {transform_indices = #map2}, {transform_indices = #map}]} {
    %run_scoped3A = arith.constant 0 : i32
    %run_scoped3A_0 = arith.constant 0 : i32
    %run_scoped3A_1 = arith.constant 0 : i32
    "tpu.region"() ({
      %run_scoped3A_91 = tpu.sem_alloc : memref<!tpu.dma_semaphore, #tpu.memory_space<semaphore_mem>>
      %dma_start3A_92 = arith.constant 0 : i32
      %dma_start3A_93 = tpu.memref_slice %arg6[%run_scoped3A_1, %dma_start3A_92] : memref<4x625xi32, #tpu.memory_space<vmem>> -> memref<1x625xi32, #tpu.memory_space<vmem>>
      %dma_start3A_94 = tpu.memref_squeeze %dma_start3A_93 : memref<1x625xi32, #tpu.memory_space<vmem>> -> memref<625xi32, #tpu.memory_space<vmem>>
      %dma_start3A_95 = arith.constant 0 : i32
      %dma_start3A_96 = tpu.memref_slice %arg3[%run_scoped3A, %arg1, %run_scoped3A_0, %dma_start3A_95] : memref<2x16x32x625xi32, #tpu.memory_space<hbm>> -> memref<1x1x1x625xi32, #tpu.memory_space<hbm>>
      %dma_start3A_97 = tpu.memref_squeeze %dma_start3A_96 : memref<1x1x1x625xi32, #tpu.memory_space<hbm>> -> memref<625xi32, #tpu.memory_space<hbm>>
      %dma_start3A_98 = arith.constant 0 : i32
      %dma_start3A_99 = tpu.memref_slice %arg6[%run_scoped3A_1, %dma_start3A_98] : memref<4x625xi32, #tpu.memory_space<vmem>> -> memref<1x625xi32, #tpu.memory_space<vmem>>
      %dma_start3A_100 = tpu.memref_squeeze %dma_start3A_99 : memref<1x625xi32, #tpu.memory_space<vmem>> -> memref<625xi32, #tpu.memory_space<vmem>>
      %dma_start3A_101 = arith.constant 0 : i32
      %dma_start3A_102 = tpu.memref_slice %arg3[%run_scoped3A, %arg1, %run_scoped3A_0, %dma_start3A_101] : memref<2x16x32x625xi32, #tpu.memory_space<hbm>> -> memref<1x1x1x625xi32, #tpu.memory_space<hbm>>
      %dma_start3A_103 = tpu.memref_squeeze %dma_start3A_102 : memref<1x1x1x625xi32, #tpu.memory_space<hbm>> -> memref<625xi32, #tpu.memory_space<hbm>>
      tpu.enqueue_dma source(%dma_start3A_103 : memref<625xi32, #tpu.memory_space<hbm>>) target(%dma_start3A_100 : memref<625xi32, #tpu.memory_space<vmem>>) target_semaphore(%run_scoped3A_91 : memref<!tpu.dma_semaphore, #tpu.memory_space<semaphore_mem>>)
      %dma_wait3A_104 = arith.constant 0 : i32
      %dma_wait3A_105 = tpu.memref_slice %arg6[%run_scoped3A_1, %dma_wait3A_104] : memref<4x625xi32, #tpu.memory_space<vmem>> -> memref<1x625xi32, #tpu.memory_space<vmem>>
      %dma_wait3A_106 = tpu.memref_squeeze %dma_wait3A_105 : memref<1x625xi32, #tpu.memory_space<vmem>> -> memref<625xi32, #tpu.memory_space<vmem>>
      %dma_wait3A_107 = arith.constant 0 : i32
      %dma_wait3A_108 = tpu.memref_slice %arg3[%run_scoped3A, %arg1, %run_scoped3A_0, %dma_wait3A_107] : memref<2x16x32x625xi32, #tpu.memory_space<hbm>> -> memref<1x1x1x625xi32, #tpu.memory_space<hbm>>
      %dma_wait3A_109 = tpu.memref_squeeze %dma_wait3A_108 : memref<1x1x1x625xi32, #tpu.memory_space<hbm>> -> memref<625xi32, #tpu.memory_space<hbm>>
      %dma_wait3A_110 = arith.constant 0 : i32
      %dma_wait3A_111 = tpu.memref_slice %arg6[%run_scoped3A_1, %dma_wait3A_110] : memref<4x625xi32, #tpu.memory_space<vmem>> -> memref<1x625xi32, #tpu.memory_space<vmem>>
      %dma_wait3A_112 = tpu.memref_squeeze %dma_wait3A_111 : memref<1x625xi32, #tpu.memory_space<vmem>> -> memref<625xi32, #tpu.memory_space<vmem>>
      %dma_wait3A_113 = arith.constant 0 : i32
      %dma_wait3A_114 = tpu.memref_slice %arg3[%run_scoped3A, %arg1, %run_scoped3A_0, %dma_wait3A_113] : memref<2x16x32x625xi32, #tpu.memory_space<hbm>> -> memref<1x1x1x625xi32, #tpu.memory_space<hbm>>
      %dma_wait3A_115 = tpu.memref_squeeze %dma_wait3A_114 : memref<1x1x1x625xi32, #tpu.memory_space<hbm>> -> memref<625xi32, #tpu.memory_space<hbm>>
      tpu.wait_dma2 semaphore(%run_scoped3A_91 : memref<!tpu.dma_semaphore, #tpu.memory_space<semaphore_mem>>) src(%dma_wait3A_115 : memref<625xi32, #tpu.memory_space<hbm>>) dst(%dma_wait3A_112 : memref<625xi32, #tpu.memory_space<vmem>>)
      tpu.yield
    }) : () -> ()
    %run_scoped3A_2 = arith.constant 1 : i32
    %run_scoped3A_3 = arith.constant 0 : i32
    %run_scoped3A_4 = arith.constant 0 : i32
    "tpu.region"() ({
      %run_scoped3A_91 = tpu.sem_alloc : memref<!tpu.dma_semaphore, #tpu.memory_space<semaphore_mem>>
      %dma_start3A_92 = arith.constant 0 : i32
      %dma_start3A_93 = tpu.memref_slice %arg7[%run_scoped3A_4, %dma_start3A_92] : memref<4x625xi32, #tpu.memory_space<vmem>> -> memref<1x625xi32, #tpu.memory_space<vmem>>
      %dma_start3A_94 = tpu.memref_squeeze %dma_start3A_93 : memref<1x625xi32, #tpu.memory_space<vmem>> -> memref<625xi32, #tpu.memory_space<vmem>>
      %dma_start3A_95 = arith.constant 0 : i32
      %dma_start3A_96 = tpu.memref_slice %arg3[%run_scoped3A_2, %arg1, %run_scoped3A_3, %dma_start3A_95] : memref<2x16x32x625xi32, #tpu.memory_space<hbm>> -> memref<1x1x1x625xi32, #tpu.memory_space<hbm>>
      %dma_start3A_97 = tpu.memref_squeeze %dma_start3A_96 : memref<1x1x1x625xi32, #tpu.memory_space<hbm>> -> memref<625xi32, #tpu.memory_space<hbm>>
      %dma_start3A_98 = arith.constant 0 : i32
      %dma_start3A_99 = tpu.memref_slice %arg7[%run_scoped3A_4, %dma_start3A_98] : memref<4x625xi32, #tpu.memory_space<vmem>> -> memref<1x625xi32, #tpu.memory_space<vmem>>
      %dma_start3A_100 = tpu.memref_squeeze %dma_start3A_99 : memref<1x625xi32, #tpu.memory_space<vmem>> -> memref<625xi32, #tpu.memory_space<vmem>>
      %dma_start3A_101 = arith.constant 0 : i32
      %dma_start3A_102 = tpu.memref_slice %arg3[%run_scoped3A_2, %arg1, %run_scoped3A_3, %dma_start3A_101] : memref<2x16x32x625xi32, #tpu.memory_space<hbm>> -> memref<1x1x1x625xi32, #tpu.memory_space<hbm>>
      %dma_start3A_103 = tpu.memref_squeeze %dma_start3A_102 : memref<1x1x1x625xi32, #tpu.memory_space<hbm>> -> memref<625xi32, #tpu.memory_space<hbm>>
      tpu.enqueue_dma source(%dma_start3A_103 : memref<625xi32, #tpu.memory_space<hbm>>) target(%dma_start3A_100 : memref<625xi32, #tpu.memory_space<vmem>>) target_semaphore(%run_scoped3A_91 : memref<!tpu.dma_semaphore, #tpu.memory_space<semaphore_mem>>)
      %dma_wait3A_104 = arith.constant 0 : i32
      %dma_wait3A_105 = tpu.memref_slice %arg7[%run_scoped3A_4, %dma_wait3A_104] : memref<4x625xi32, #tpu.memory_space<vmem>> -> memref<1x625xi32, #tpu.memory_space<vmem>>
      %dma_wait3A_106 = tpu.memref_squeeze %dma_wait3A_105 : memref<1x625xi32, #tpu.memory_space<vmem>> -> memref<625xi32, #tpu.memory_space<vmem>>
      %dma_wait3A_107 = arith.constant 0 : i32
      %dma_wait3A_108 = tpu.memref_slice %arg3[%run_scoped3A_2, %arg1, %run_scoped3A_3, %dma_wait3A_107] : memref<2x16x32x625xi32, #tpu.memory_space<hbm>> -> memref<1x1x1x625xi32, #tpu.memory_space<hbm>>
      %dma_wait3A_109 = tpu.memref_squeeze %dma_wait3A_108 : memref<1x1x1x625xi32, #tpu.memory_space<hbm>> -> memref<625xi32, #tpu.memory_space<hbm>>
      %dma_wait3A_110 = arith.constant 0 : i32
      %dma_wait3A_111 = tpu.memref_slice %arg7[%run_scoped3A_4, %dma_wait3A_110] : memref<4x625xi32, #tpu.memory_space<vmem>> -> memref<1x625xi32, #tpu.memory_space<vmem>>
      %dma_wait3A_112 = tpu.memref_squeeze %dma_wait3A_111 : memref<1x625xi32, #tpu.memory_space<vmem>> -> memref<625xi32, #tpu.memory_space<vmem>>
      %dma_wait3A_113 = arith.constant 0 : i32
      %dma_wait3A_114 = tpu.memref_slice %arg3[%run_scoped3A_2, %arg1, %run_scoped3A_3, %dma_wait3A_113] : memref<2x16x32x625xi32, #tpu.memory_space<hbm>> -> memref<1x1x1x625xi32, #tpu.memory_space<hbm>>
      %dma_wait3A_115 = tpu.memref_squeeze %dma_wait3A_114 : memref<1x1x1x625xi32, #tpu.memory_space<hbm>> -> memref<625xi32, #tpu.memory_space<hbm>>
      tpu.wait_dma2 semaphore(%run_scoped3A_91 : memref<!tpu.dma_semaphore, #tpu.memory_space<semaphore_mem>>) src(%dma_wait3A_115 : memref<625xi32, #tpu.memory_space<hbm>>) dst(%dma_wait3A_112 : memref<625xi32, #tpu.memory_space<vmem>>)
      tpu.yield
    }) : () -> ()
    %dma_start3A = arith.constant 0 : i32
    %dma_start3A_5 = arith.constant 1 : i32
    %dma_start3A_6 = arith.constant 1 : i32
    %dma_start3A_7 = arith.constant 0 : i32
    %dma_start3A_8 = tpu.memref_slice %arg6[%dma_start3A_6, %dma_start3A_7] : memref<4x625xi32, #tpu.memory_space<vmem>> -> memref<1x625xi32, #tpu.memory_space<vmem>>
    %dma_start3A_9 = tpu.memref_squeeze %dma_start3A_8 : memref<1x625xi32, #tpu.memory_space<vmem>> -> memref<625xi32, #tpu.memory_space<vmem>>
    %dma_start3A_10 = arith.constant 0 : i32
    %dma_start3A_11 = tpu.memref_slice %arg3[%dma_start3A, %arg1, %dma_start3A_5, %dma_start3A_10] : memref<2x16x32x625xi32, #tpu.memory_space<hbm>> -> memref<1x1x1x625xi32, #tpu.memory_space<hbm>>
    %dma_start3A_12 = tpu.memref_squeeze %dma_start3A_11 : memref<1x1x1x625xi32, #tpu.memory_space<hbm>> -> memref<625xi32, #tpu.memory_space<hbm>>
    %dma_start3A_13 = arith.constant 0 : i32
    %dma_start3A_14 = tpu.memref_slice %arg6[%dma_start3A_6, %dma_start3A_13] : memref<4x625xi32, #tpu.memory_space<vmem>> -> memref<1x625xi32, #tpu.memory_space<vmem>>
    %dma_start3A_15 = tpu.memref_squeeze %dma_start3A_14 : memref<1x625xi32, #tpu.memory_space<vmem>> -> memref<625xi32, #tpu.memory_space<vmem>>
    %dma_start3A_16 = arith.constant 0 : i32
    %dma_start3A_17 = tpu.memref_slice %arg3[%dma_start3A, %arg1, %dma_start3A_5, %dma_start3A_16] : memref<2x16x32x625xi32, #tpu.memory_space<hbm>> -> memref<1x1x1x625xi32, #tpu.memory_space<hbm>>
    %dma_start3A_18 = tpu.memref_squeeze %dma_start3A_17 : memref<1x1x1x625xi32, #tpu.memory_space<hbm>> -> memref<625xi32, #tpu.memory_space<hbm>>
    tpu.enqueue_dma source(%dma_start3A_18 : memref<625xi32, #tpu.memory_space<hbm>>) target(%dma_start3A_15 : memref<625xi32, #tpu.memory_space<vmem>>) target_semaphore(%arg13 : memref<!tpu.dma_semaphore, #tpu.memory_space<semaphore_mem>>)
    %dma_start3A_19 = arith.constant 1 : i32
    %dma_start3A_20 = arith.constant 1 : i32
    %dma_start3A_21 = arith.constant 1 : i32
    %dma_start3A_22 = arith.constant 0 : i32
    %dma_start3A_23 = tpu.memref_slice %arg7[%dma_start3A_21, %dma_start3A_22] : memref<4x625xi32, #tpu.memory_space<vmem>> -> memref<1x625xi32, #tpu.memory_space<vmem>>
    %dma_start3A_24 = tpu.memref_squeeze %dma_start3A_23 : memref<1x625xi32, #tpu.memory_space<vmem>> -> memref<625xi32, #tpu.memory_space<vmem>>
    %dma_start3A_25 = arith.constant 0 : i32
    %dma_start3A_26 = tpu.memref_slice %arg3[%dma_start3A_19, %arg1, %dma_start3A_20, %dma_start3A_25] : memref<2x16x32x625xi32, #tpu.memory_space<hbm>> -> memref<1x1x1x625xi32, #tpu.memory_space<hbm>>
    %dma_start3A_27 = tpu.memref_squeeze %dma_start3A_26 : memref<1x1x1x625xi32, #tpu.memory_space<hbm>> -> memref<625xi32, #tpu.memory_space<hbm>>
    %dma_start3A_28 = arith.constant 0 : i32
    %dma_start3A_29 = tpu.memref_slice %arg7[%dma_start3A_21, %dma_start3A_28] : memref<4x625xi32, #tpu.memory_space<vmem>> -> memref<1x625xi32, #tpu.memory_space<vmem>>
    %dma_start3A_30 = tpu.memref_squeeze %dma_start3A_29 : memref<1x625xi32, #tpu.memory_space<vmem>> -> memref<625xi32, #tpu.memory_space<vmem>>
    %dma_start3A_31 = arith.constant 0 : i32
    %dma_start3A_32 = tpu.memref_slice %arg3[%dma_start3A_19, %arg1, %dma_start3A_20, %dma_start3A_31] : memref<2x16x32x625xi32, #tpu.memory_space<hbm>> -> memref<1x1x1x625xi32, #tpu.memory_space<hbm>>
    %dma_start3A_33 = tpu.memref_squeeze %dma_start3A_32 : memref<1x1x1x625xi32, #tpu.memory_space<hbm>> -> memref<625xi32, #tpu.memory_space<hbm>>
    tpu.enqueue_dma source(%dma_start3A_33 : memref<625xi32, #tpu.memory_space<hbm>>) target(%dma_start3A_30 : memref<625xi32, #tpu.memory_space<vmem>>) target_semaphore(%arg13 : memref<!tpu.dma_semaphore, #tpu.memory_space<semaphore_mem>>)
    %dma_start3A_34 = arith.constant 0 : i32
    %dma_start3A_35 = arith.constant 2 : i32
    %dma_start3A_36 = arith.constant 2 : i32
    %dma_start3A_37 = arith.constant 0 : i32
    %dma_start3A_38 = tpu.memref_slice %arg6[%dma_start3A_36, %dma_start3A_37] : memref<4x625xi32, #tpu.memory_space<vmem>> -> memref<1x625xi32, #tpu.memory_space<vmem>>
    %dma_start3A_39 = tpu.memref_squeeze %dma_start3A_38 : memref<1x625xi32, #tpu.memory_space<vmem>> -> memref<625xi32, #tpu.memory_space<vmem>>
    %dma_start3A_40 = arith.constant 0 : i32
    %dma_start3A_41 = tpu.memref_slice %arg3[%dma_start3A_34, %arg1, %dma_start3A_35, %dma_start3A_40] : memref<2x16x32x625xi32, #tpu.memory_space<hbm>> -> memref<1x1x1x625xi32, #tpu.memory_space<hbm>>
    %dma_start3A_42 = tpu.memref_squeeze %dma_start3A_41 : memref<1x1x1x625xi32, #tpu.memory_space<hbm>> -> memref<625xi32, #tpu.memory_space<hbm>>
    %dma_start3A_43 = arith.constant 0 : i32
    %dma_start3A_44 = tpu.memref_slice %arg6[%dma_start3A_36, %dma_start3A_43] : memref<4x625xi32, #tpu.memory_space<vmem>> -> memref<1x625xi32, #tpu.memory_space<vmem>>
    %dma_start3A_45 = tpu.memref_squeeze %dma_start3A_44 : memref<1x625xi32, #tpu.memory_space<vmem>> -> memref<625xi32, #tpu.memory_space<vmem>>
    %dma_start3A_46 = arith.constant 0 : i32
    %dma_start3A_47 = tpu.memref_slice %arg3[%dma_start3A_34, %arg1, %dma_start3A_35, %dma_start3A_46] : memref<2x16x32x625xi32, #tpu.memory_space<hbm>> -> memref<1x1x1x625xi32, #tpu.memory_space<hbm>>
    %dma_start3A_48 = tpu.memref_squeeze %dma_start3A_47 : memref<1x1x1x625xi32, #tpu.memory_space<hbm>> -> memref<625xi32, #tpu.memory_space<hbm>>
    tpu.enqueue_dma source(%dma_start3A_48 : memref<625xi32, #tpu.memory_space<hbm>>) target(%dma_start3A_45 : memref<625xi32, #tpu.memory_space<vmem>>) target_semaphore(%arg13 : memref<!tpu.dma_semaphore, #tpu.memory_space<semaphore_mem>>)
    %dma_start3A_49 = arith.constant 1 : i32
    %dma_start3A_50 = arith.constant 2 : i32
    %dma_start3A_51 = arith.constant 2 : i32
    %dma_start3A_52 = arith.constant 0 : i32
    %dma_start3A_53 = tpu.memref_slice %arg7[%dma_start3A_51, %dma_start3A_52] : memref<4x625xi32, #tpu.memory_space<vmem>> -> memref<1x625xi32, #tpu.memory_space<vmem>>
    %dma_start3A_54 = tpu.memref_squeeze %dma_start3A_53 : memref<1x625xi32, #tpu.memory_space<vmem>> -> memref<625xi32, #tpu.memory_space<vmem>>
    %dma_start3A_55 = arith.constant 0 : i32
    %dma_start3A_56 = tpu.memref_slice %arg3[%dma_start3A_49, %arg1, %dma_start3A_50, %dma_start3A_55] : memref<2x16x32x625xi32, #tpu.memory_space<hbm>> -> memref<1x1x1x625xi32, #tpu.memory_space<hbm>>
    %dma_start3A_57 = tpu.memref_squeeze %dma_start3A_56 : memref<1x1x1x625xi32, #tpu.memory_space<hbm>> -> memref<625xi32, #tpu.memory_space<hbm>>
    %dma_start3A_58 = arith.constant 0 : i32
    %dma_start3A_59 = tpu.memref_slice %arg7[%dma_start3A_51, %dma_start3A_58] : memref<4x625xi32, #tpu.memory_space<vmem>> -> memref<1x625xi32, #tpu.memory_space<vmem>>
    %dma_start3A_60 = tpu.memref_squeeze %dma_start3A_59 : memref<1x625xi32, #tpu.memory_space<vmem>> -> memref<625xi32, #tpu.memory_space<vmem>>
    %dma_start3A_61 = arith.constant 0 : i32
    %dma_start3A_62 = tpu.memref_slice %arg3[%dma_start3A_49, %arg1, %dma_start3A_50, %dma_start3A_61] : memref<2x16x32x625xi32, #tpu.memory_space<hbm>> -> memref<1x1x1x625xi32, #tpu.memory_space<hbm>>
    %dma_start3A_63 = tpu.memref_squeeze %dma_start3A_62 : memref<1x1x1x625xi32, #tpu.memory_space<hbm>> -> memref<625xi32, #tpu.memory_space<hbm>>
    tpu.enqueue_dma source(%dma_start3A_63 : memref<625xi32, #tpu.memory_space<hbm>>) target(%dma_start3A_60 : memref<625xi32, #tpu.memory_space<vmem>>) target_semaphore(%arg13 : memref<!tpu.dma_semaphore, #tpu.memory_space<semaphore_mem>>)
    %mul3A = arith.constant 640 : i32
    %mul3A_64 = arith.muli %arg1, %mul3A : i32
    "tpu.region"() ({
      %run_scoped3A_91 = tpu.sem_alloc : memref<!tpu.dma_semaphore, #tpu.memory_space<semaphore_mem>>
      %dma_start3A_92 = arith.constant 0 : i32
      %dma_start3A_93 = tpu.memref_slice %arg10[%mul3A_64, %dma_start3A_92] : memref<10240x64xf32, #tpu.memory_space<vmem_shared>> -> memref<640x64xf32, #tpu.memory_space<vmem_shared>>
      tpu.enqueue_dma source(%arg4 : memref<640x64xf32, #tpu.memory_space<hbm>>) target(%dma_start3A_93 : memref<640x64xf32, #tpu.memory_space<vmem_shared>>) target_semaphore(%run_scoped3A_91 : memref<!tpu.dma_semaphore, #tpu.memory_space<semaphore_mem>>)
      %dma_wait3A_94 = arith.constant 0 : i32
      %dma_wait3A_95 = tpu.memref_slice %arg10[%mul3A_64, %dma_wait3A_94] : memref<10240x64xf32, #tpu.memory_space<vmem_shared>> -> memref<640x64xf32, #tpu.memory_space<vmem_shared>>
      tpu.wait_dma2 semaphore(%run_scoped3A_91 : memref<!tpu.dma_semaphore, #tpu.memory_space<semaphore_mem>>) src(%arg4 : memref<640x64xf32, #tpu.memory_space<hbm>>) dst(%dma_wait3A_95 : memref<640x64xf32, #tpu.memory_space<vmem_shared>>)
      tpu.yield
    }) : () -> ()
    %barrier3A = arith.constant 0 : index
    tpu.barrier barrier_id(%barrier3A)
    %dma_start3A_65 = arith.constant 0 : i32
    %dma_start3A_66 = arith.constant 0 : i32
    %dma_start3A_67 = tpu.memref_slice %arg6[%dma_start3A_65, %dma_start3A_66] : memref<4x625xi32, #tpu.memory_space<vmem>> -> memref<1x625xi32, #tpu.memory_space<vmem>>
    %dma_start3A_68 = tpu.memref_squeeze %dma_start3A_67 : memref<1x625xi32, #tpu.memory_space<vmem>> -> memref<625xi32, #tpu.memory_space<vmem>>
    %dma_start3A_69 = arith.constant 0 : i32
    %dma_start3A_70 = arith.constant 0 : i32
    %dma_start3A_71 = tpu.memref_slice %arg2[%arg0, %dma_start3A_69, %dma_start3A_70] : memref<2x10000x64xf32, #tpu.memory_space<hbm>> -> memref<1x10000x64xf32, #tpu.memory_space<hbm>>
    %dma_start3A_72 = tpu.memref_squeeze %dma_start3A_71 : memref<1x10000x64xf32, #tpu.memory_space<hbm>> -> memref<10000x64xf32, #tpu.memory_space<hbm>>
    %dma_start3A_73 = arith.constant 0 : i32
    %dma_start3A_74 = arith.constant 0 : i32
    %dma_start3A_75 = tpu.memref_slice %dma_start3A_72[%dma_start3A_73, %dma_start3A_74] : memref<10000x64xf32, #tpu.memory_space<hbm>> -> memref<10000x64xf32, #tpu.memory_space<hbm>>
    tpu.enqueue_indirect_dma source(%dma_start3A_75 : memref<10000x64xf32, #tpu.memory_space<hbm>>) target(%arg8 : memref<625x64xf32, #tpu.memory_space<vmem>>) offsets(%dma_start3A_68 : memref<625xi32, #tpu.memory_space<vmem>>) semaphore(%arg11 : memref<!tpu.dma_semaphore, #tpu.memory_space<semaphore_mem>>)
    %scan3A = arith.constant 0 : i32
    %scan3A_76 = arith.constant 8 : i32
    %scan3A_77 = arith.addi %scan3A, %scan3A_76 : i32
    %scan3A_78 = arith.constant 1 : i32
    scf.for %scan3A_91 = %scan3A to %scan3A_77 step %scan3A_78  : i32 {
      %mul3A_92 = arith.constant 4 : i32
      %mul3A_93 = arith.muli %scan3A_91, %mul3A_92 : i32
      %add3A = arith.constant 0 : i32
      %add3A_94 = arith.addi %add3A, %mul3A_93 : i32
      %add3A_95 = arith.constant 0 : i32
      %add3A_96 = arith.addi %add3A_94, %add3A_95 : i32
      %dma_wait3A_97 = arith.constant 0 : i32
      %dma_wait3A_98 = arith.constant 0 : i32
      %dma_wait3A_99 = tpu.memref_slice %arg6[%dma_wait3A_97, %dma_wait3A_98] : memref<4x625xi32, #tpu.memory_space<vmem>> -> memref<1x625xi32, #tpu.memory_space<vmem>>
      %dma_wait3A_100 = tpu.memref_squeeze %dma_wait3A_99 : memref<1x625xi32, #tpu.memory_space<vmem>> -> memref<625xi32, #tpu.memory_space<vmem>>
      %dma_wait3A_101 = arith.constant 0 : i32
      %dma_wait3A_102 = arith.constant 0 : i32
      %dma_wait3A_103 = tpu.memref_slice %arg2[%arg0, %dma_wait3A_101, %dma_wait3A_102] : memref<2x10000x64xf32, #tpu.memory_space<hbm>> -> memref<1x10000x64xf32, #tpu.memory_space<hbm>>
      %dma_wait3A_104 = tpu.memref_squeeze %dma_wait3A_103 : memref<1x10000x64xf32, #tpu.memory_space<hbm>> -> memref<10000x64xf32, #tpu.memory_space<hbm>>
      %dma_wait3A_105 = arith.constant 0 : i32
      %dma_wait3A_106 = arith.constant 0 : i32
      %dma_wait3A_107 = tpu.memref_slice %dma_wait3A_104[%dma_wait3A_105, %dma_wait3A_106] : memref<10000x64xf32, #tpu.memory_space<hbm>> -> memref<10000x64xf32, #tpu.memory_space<hbm>>
      tpu.wait_indirect_dma semaphore(%arg11 : memref<!tpu.dma_semaphore, #tpu.memory_space<semaphore_mem>>) src(%dma_wait3A_107 : memref<10000x64xf32, #tpu.memory_space<hbm>>) dst(%arg8 : memref<625x64xf32, #tpu.memory_space<vmem>>)
      %dma_start3A_108 = arith.constant 0 : i32
      %dma_start3A_109 = arith.constant 0 : i32
      %dma_start3A_110 = tpu.memref_slice %arg7[%dma_start3A_108, %dma_start3A_109] : memref<4x625xi32, #tpu.memory_space<vmem>> -> memref<1x625xi32, #tpu.memory_space<vmem>>
      %dma_start3A_111 = tpu.memref_squeeze %dma_start3A_110 : memref<1x625xi32, #tpu.memory_space<vmem>> -> memref<625xi32, #tpu.memory_space<vmem>>
      %dma_start3A_112 = arith.constant 0 : i32
      %dma_start3A_113 = arith.constant 0 : i32
      %dma_start3A_114 = tpu.memref_slice %arg10[%dma_start3A_112, %dma_start3A_113] : memref<10240x64xf32, #tpu.memory_space<vmem_shared>> -> memref<10240x64xf32, #tpu.memory_space<vmem_shared>>
      tpu.enqueue_indirect_dma source(%arg8 : memref<625x64xf32, #tpu.memory_space<vmem>>) target(%dma_start3A_114 : memref<10240x64xf32, #tpu.memory_space<vmem_shared>>) offsets(%dma_start3A_111 : memref<625xi32, #tpu.memory_space<vmem>>) semaphore(%arg12 : memref<!tpu.dma_semaphore, #tpu.memory_space<semaphore_mem>>) {add = true}
      %ge3A = arith.constant 1 : i32
      %ge3A_115 = arith.cmpi sge, %add3A_96, %ge3A : i32
      %convert_element_type3A = arith.extui %ge3A_115 : i1 to i32
      %cond3A = arith.constant 0 : i32
      %cond3A_116 = arith.cmpi ne, %convert_element_type3A, %cond3A : i32
      scf.if %cond3A_116 {
        %dma_wait3A_247 = arith.constant 3 : i32
        %dma_wait3A_248 = arith.constant 0 : i32
        %dma_wait3A_249 = tpu.memref_slice %arg7[%dma_wait3A_247, %dma_wait3A_248] : memref<4x625xi32, #tpu.memory_space<vmem>> -> memref<1x625xi32, #tpu.memory_space<vmem>>
        %dma_wait3A_250 = tpu.memref_squeeze %dma_wait3A_249 : memref<1x625xi32, #tpu.memory_space<vmem>> -> memref<625xi32, #tpu.memory_space<vmem>>
        %dma_wait3A_251 = arith.constant 0 : i32
        %dma_wait3A_252 = arith.constant 0 : i32
        %dma_wait3A_253 = tpu.memref_slice %arg10[%dma_wait3A_251, %dma_wait3A_252] : memref<10240x64xf32, #tpu.memory_space<vmem_shared>> -> memref<10240x64xf32, #tpu.memory_space<vmem_shared>>
        tpu.wait_indirect_dma semaphore(%arg12 : memref<!tpu.dma_semaphore, #tpu.memory_space<semaphore_mem>>) src(%arg9 : memref<625x64xf32, #tpu.memory_space<vmem>>) dst(%dma_wait3A_253 : memref<10240x64xf32, #tpu.memory_space<vmem_shared>>)
      } else {
      }
      %add3A_117 = arith.constant 1 : i32
      %add3A_118 = arith.addi %add3A_96, %add3A_117 : i32
      %lt3A = arith.constant 32 : i32
      %lt3A_119 = arith.cmpi slt, %add3A_118, %lt3A : i32
      %convert_element_type3A_120 = arith.extui %lt3A_119 : i1 to i32
      %cond3A_121 = arith.constant 0 : i32
      %cond3A_122 = arith.cmpi ne, %convert_element_type3A_120, %cond3A_121 : i32
      scf.if %cond3A_122 {
        %add3A_247 = arith.constant 1 : i32
        %add3A_248 = arith.addi %add3A_96, %add3A_247 : i32
        %dma_wait3A_249 = arith.constant 0 : i32
        %dma_wait3A_250 = arith.constant 1 : i32
        %dma_wait3A_251 = arith.constant 0 : i32
        %dma_wait3A_252 = tpu.memref_slice %arg6[%dma_wait3A_250, %dma_wait3A_251] : memref<4x625xi32, #tpu.memory_space<vmem>> -> memref<1x625xi32, #tpu.memory_space<vmem>>
        %dma_wait3A_253 = tpu.memref_squeeze %dma_wait3A_252 : memref<1x625xi32, #tpu.memory_space<vmem>> -> memref<625xi32, #tpu.memory_space<vmem>>
        %dma_wait3A_254 = arith.constant 0 : i32
        %dma_wait3A_255 = tpu.memref_slice %arg3[%dma_wait3A_249, %arg1, %add3A_248, %dma_wait3A_254] : memref<2x16x32x625xi32, #tpu.memory_space<hbm>> -> memref<1x1x1x625xi32, #tpu.memory_space<hbm>>
        %dma_wait3A_256 = tpu.memref_squeeze %dma_wait3A_255 : memref<1x1x1x625xi32, #tpu.memory_space<hbm>> -> memref<625xi32, #tpu.memory_space<hbm>>
        %dma_wait3A_257 = arith.constant 0 : i32
        %dma_wait3A_258 = tpu.memref_slice %arg6[%dma_wait3A_250, %dma_wait3A_257] : memref<4x625xi32, #tpu.memory_space<vmem>> -> memref<1x625xi32, #tpu.memory_space<vmem>>
        %dma_wait3A_259 = tpu.memref_squeeze %dma_wait3A_258 : memref<1x625xi32, #tpu.memory_space<vmem>> -> memref<625xi32, #tpu.memory_space<vmem>>
        %dma_wait3A_260 = arith.constant 0 : i32
        %dma_wait3A_261 = tpu.memref_slice %arg3[%dma_wait3A_249, %arg1, %add3A_248, %dma_wait3A_260] : memref<2x16x32x625xi32, #tpu.memory_space<hbm>> -> memref<1x1x1x625xi32, #tpu.memory_space<hbm>>
        %dma_wait3A_262 = tpu.memref_squeeze %dma_wait3A_261 : memref<1x1x1x625xi32, #tpu.memory_space<hbm>> -> memref<625xi32, #tpu.memory_space<hbm>>
        tpu.wait_dma2 semaphore(%arg13 : memref<!tpu.dma_semaphore, #tpu.memory_space<semaphore_mem>>) src(%dma_wait3A_262 : memref<625xi32, #tpu.memory_space<hbm>>) dst(%dma_wait3A_259 : memref<625xi32, #tpu.memory_space<vmem>>)
        %add3A_263 = arith.constant 1 : i32
        %add3A_264 = arith.addi %add3A_96, %add3A_263 : i32
        %dma_wait3A_265 = arith.constant 1 : i32
        %dma_wait3A_266 = arith.constant 1 : i32
        %dma_wait3A_267 = arith.constant 0 : i32
        %dma_wait3A_268 = tpu.memref_slice %arg7[%dma_wait3A_266, %dma_wait3A_267] : memref<4x625xi32, #tpu.memory_space<vmem>> -> memref<1x625xi32, #tpu.memory_space<vmem>>
        %dma_wait3A_269 = tpu.memref_squeeze %dma_wait3A_268 : memref<1x625xi32, #tpu.memory_space<vmem>> -> memref<625xi32, #tpu.memory_space<vmem>>
        %dma_wait3A_270 = arith.constant 0 : i32
        %dma_wait3A_271 = tpu.memref_slice %arg3[%dma_wait3A_265, %arg1, %add3A_264, %dma_wait3A_270] : memref<2x16x32x625xi32, #tpu.memory_space<hbm>> -> memref<1x1x1x625xi32, #tpu.memory_space<hbm>>
        %dma_wait3A_272 = tpu.memref_squeeze %dma_wait3A_271 : memref<1x1x1x625xi32, #tpu.memory_space<hbm>> -> memref<625xi32, #tpu.memory_space<hbm>>
        %dma_wait3A_273 = arith.constant 0 : i32
        %dma_wait3A_274 = tpu.memref_slice %arg7[%dma_wait3A_266, %dma_wait3A_273] : memref<4x625xi32, #tpu.memory_space<vmem>> -> memref<1x625xi32, #tpu.memory_space<vmem>>
        %dma_wait3A_275 = tpu.memref_squeeze %dma_wait3A_274 : memref<1x625xi32, #tpu.memory_space<vmem>> -> memref<625xi32, #tpu.memory_space<vmem>>
        %dma_wait3A_276 = arith.constant 0 : i32
        %dma_wait3A_277 = tpu.memref_slice %arg3[%dma_wait3A_265, %arg1, %add3A_264, %dma_wait3A_276] : memref<2x16x32x625xi32, #tpu.memory_space<hbm>> -> memref<1x1x1x625xi32, #tpu.memory_space<hbm>>
        %dma_wait3A_278 = tpu.memref_squeeze %dma_wait3A_277 : memref<1x1x1x625xi32, #tpu.memory_space<hbm>> -> memref<625xi32, #tpu.memory_space<hbm>>
        tpu.wait_dma2 semaphore(%arg13 : memref<!tpu.dma_semaphore, #tpu.memory_space<semaphore_mem>>) src(%dma_wait3A_278 : memref<625xi32, #tpu.memory_space<hbm>>) dst(%dma_wait3A_275 : memref<625xi32, #tpu.memory_space<vmem>>)
        %dma_start3A_279 = arith.constant 1 : i32
        %dma_start3A_280 = arith.constant 0 : i32
        %dma_start3A_281 = tpu.memref_slice %arg6[%dma_start3A_279, %dma_start3A_280] : memref<4x625xi32, #tpu.memory_space<vmem>> -> memref<1x625xi32, #tpu.memory_space<vmem>>
        %dma_start3A_282 = tpu.memref_squeeze %dma_start3A_281 : memref<1x625xi32, #tpu.memory_space<vmem>> -> memref<625xi32, #tpu.memory_space<vmem>>
        %dma_start3A_283 = arith.constant 0 : i32
        %dma_start3A_284 = arith.constant 0 : i32
        %dma_start3A_285 = tpu.memref_slice %arg2[%arg0, %dma_start3A_283, %dma_start3A_284] : memref<2x10000x64xf32, #tpu.memory_space<hbm>> -> memref<1x10000x64xf32, #tpu.memory_space<hbm>>
        %dma_start3A_286 = tpu.memref_squeeze %dma_start3A_285 : memref<1x10000x64xf32, #tpu.memory_space<hbm>> -> memref<10000x64xf32, #tpu.memory_space<hbm>>
        %dma_start3A_287 = arith.constant 0 : i32
        %dma_start3A_288 = arith.constant 0 : i32
        %dma_start3A_289 = tpu.memref_slice %dma_start3A_286[%dma_start3A_287, %dma_start3A_288] : memref<10000x64xf32, #tpu.memory_space<hbm>> -> memref<10000x64xf32, #tpu.memory_space<hbm>>
        tpu.enqueue_indirect_dma source(%dma_start3A_289 : memref<10000x64xf32, #tpu.memory_space<hbm>>) target(%arg9 : memref<625x64xf32, #tpu.memory_space<vmem>>) offsets(%dma_start3A_282 : memref<625xi32, #tpu.memory_space<vmem>>) semaphore(%arg11 : memref<!tpu.dma_semaphore, #tpu.memory_space<semaphore_mem>>)
      } else {
      }
      %add3A_123 = arith.constant 3 : i32
      %add3A_124 = arith.addi %add3A_96, %add3A_123 : i32
      %lt3A_125 = arith.constant 32 : i32
      %lt3A_126 = arith.cmpi slt, %add3A_124, %lt3A_125 : i32
      %convert_element_type3A_127 = arith.extui %lt3A_126 : i1 to i32
      %cond3A_128 = arith.constant 0 : i32
      %cond3A_129 = arith.cmpi ne, %convert_element_type3A_127, %cond3A_128 : i32
      scf.if %cond3A_129 {
        %add3A_247 = arith.constant 3 : i32
        %add3A_248 = arith.addi %add3A_96, %add3A_247 : i32
        %dma_start3A_249 = arith.constant 0 : i32
        %dma_start3A_250 = arith.constant 3 : i32
        %dma_start3A_251 = arith.constant 0 : i32
        %dma_start3A_252 = tpu.memref_slice %arg6[%dma_start3A_250, %dma_start3A_251] : memref<4x625xi32, #tpu.memory_space<vmem>> -> memref<1x625xi32, #tpu.memory_space<vmem>>
        %dma_start3A_253 = tpu.memref_squeeze %dma_start3A_252 : memref<1x625xi32, #tpu.memory_space<vmem>> -> memref<625xi32, #tpu.memory_space<vmem>>
        %dma_start3A_254 = arith.constant 0 : i32
        %dma_start3A_255 = tpu.memref_slice %arg3[%dma_start3A_249, %arg1, %add3A_248, %dma_start3A_254] : memref<2x16x32x625xi32, #tpu.memory_space<hbm>> -> memref<1x1x1x625xi32, #tpu.memory_space<hbm>>
        %dma_start3A_256 = tpu.memref_squeeze %dma_start3A_255 : memref<1x1x1x625xi32, #tpu.memory_space<hbm>> -> memref<625xi32, #tpu.memory_space<hbm>>
        %dma_start3A_257 = arith.constant 0 : i32
        %dma_start3A_258 = tpu.memref_slice %arg6[%dma_start3A_250, %dma_start3A_257] : memref<4x625xi32, #tpu.memory_space<vmem>> -> memref<1x625xi32, #tpu.memory_space<vmem>>
        %dma_start3A_259 = tpu.memref_squeeze %dma_start3A_258 : memref<1x625xi32, #tpu.memory_space<vmem>> -> memref<625xi32, #tpu.memory_space<vmem>>
        %dma_start3A_260 = arith.constant 0 : i32
        %dma_start3A_261 = tpu.memref_slice %arg3[%dma_start3A_249, %arg1, %add3A_248, %dma_start3A_260] : memref<2x16x32x625xi32, #tpu.memory_space<hbm>> -> memref<1x1x1x625xi32, #tpu.memory_space<hbm>>
        %dma_start3A_262 = tpu.memref_squeeze %dma_start3A_261 : memref<1x1x1x625xi32, #tpu.memory_space<hbm>> -> memref<625xi32, #tpu.memory_space<hbm>>
        tpu.enqueue_dma source(%dma_start3A_262 : memref<625xi32, #tpu.memory_space<hbm>>) target(%dma_start3A_259 : memref<625xi32, #tpu.memory_space<vmem>>) target_semaphore(%arg13 : memref<!tpu.dma_semaphore, #tpu.memory_space<semaphore_mem>>)
        %add3A_263 = arith.constant 3 : i32
        %add3A_264 = arith.addi %add3A_96, %add3A_263 : i32
        %dma_start3A_265 = arith.constant 1 : i32
        %dma_start3A_266 = arith.constant 3 : i32
        %dma_start3A_267 = arith.constant 0 : i32
        %dma_start3A_268 = tpu.memref_slice %arg7[%dma_start3A_266, %dma_start3A_267] : memref<4x625xi32, #tpu.memory_space<vmem>> -> memref<1x625xi32, #tpu.memory_space<vmem>>
        %dma_start3A_269 = tpu.memref_squeeze %dma_start3A_268 : memref<1x625xi32, #tpu.memory_space<vmem>> -> memref<625xi32, #tpu.memory_space<vmem>>
        %dma_start3A_270 = arith.constant 0 : i32
        %dma_start3A_271 = tpu.memref_slice %arg3[%dma_start3A_265, %arg1, %add3A_264, %dma_start3A_270] : memref<2x16x32x625xi32, #tpu.memory_space<hbm>> -> memref<1x1x1x625xi32, #tpu.memory_space<hbm>>
        %dma_start3A_272 = tpu.memref_squeeze %dma_start3A_271 : memref<1x1x1x625xi32, #tpu.memory_space<hbm>> -> memref<625xi32, #tpu.memory_space<hbm>>
        %dma_start3A_273 = arith.constant 0 : i32
        %dma_start3A_274 = tpu.memref_slice %arg7[%dma_start3A_266, %dma_start3A_273] : memref<4x625xi32, #tpu.memory_space<vmem>> -> memref<1x625xi32, #tpu.memory_space<vmem>>
        %dma_start3A_275 = tpu.memref_squeeze %dma_start3A_274 : memref<1x625xi32, #tpu.memory_space<vmem>> -> memref<625xi32, #tpu.memory_space<vmem>>
        %dma_start3A_276 = arith.constant 0 : i32
        %dma_start3A_277 = tpu.memref_slice %arg3[%dma_start3A_265, %arg1, %add3A_264, %dma_start3A_276] : memref<2x16x32x625xi32, #tpu.memory_space<hbm>> -> memref<1x1x1x625xi32, #tpu.memory_space<hbm>>
        %dma_start3A_278 = tpu.memref_squeeze %dma_start3A_277 : memref<1x1x1x625xi32, #tpu.memory_space<hbm>> -> memref<625xi32, #tpu.memory_space<hbm>>
        tpu.enqueue_dma source(%dma_start3A_278 : memref<625xi32, #tpu.memory_space<hbm>>) target(%dma_start3A_275 : memref<625xi32, #tpu.memory_space<vmem>>) target_semaphore(%arg13 : memref<!tpu.dma_semaphore, #tpu.memory_space<semaphore_mem>>)
      } else {
      }
      %add3A_130 = arith.constant 1 : i32
      %add3A_131 = arith.addi %add3A_94, %add3A_130 : i32
      %dma_wait3A_132 = arith.constant 1 : i32
      %dma_wait3A_133 = arith.constant 0 : i32
      %dma_wait3A_134 = tpu.memref_slice %arg6[%dma_wait3A_132, %dma_wait3A_133] : memref<4x625xi32, #tpu.memory_space<vmem>> -> memref<1x625xi32, #tpu.memory_space<vmem>>
      %dma_wait3A_135 = tpu.memref_squeeze %dma_wait3A_134 : memref<1x625xi32, #tpu.memory_space<vmem>> -> memref<625xi32, #tpu.memory_space<vmem>>
      %dma_wait3A_136 = arith.constant 0 : i32
      %dma_wait3A_137 = arith.constant 0 : i32
      %dma_wait3A_138 = tpu.memref_slice %arg2[%arg0, %dma_wait3A_136, %dma_wait3A_137] : memref<2x10000x64xf32, #tpu.memory_space<hbm>> -> memref<1x10000x64xf32, #tpu.memory_space<hbm>>
      %dma_wait3A_139 = tpu.memref_squeeze %dma_wait3A_138 : memref<1x10000x64xf32, #tpu.memory_space<hbm>> -> memref<10000x64xf32, #tpu.memory_space<hbm>>
      %dma_wait3A_140 = arith.constant 0 : i32
      %dma_wait3A_141 = arith.constant 0 : i32
      %dma_wait3A_142 = tpu.memref_slice %dma_wait3A_139[%dma_wait3A_140, %dma_wait3A_141] : memref<10000x64xf32, #tpu.memory_space<hbm>> -> memref<10000x64xf32, #tpu.memory_space<hbm>>
      tpu.wait_indirect_dma semaphore(%arg11 : memref<!tpu.dma_semaphore, #tpu.memory_space<semaphore_mem>>) src(%dma_wait3A_142 : memref<10000x64xf32, #tpu.memory_space<hbm>>) dst(%arg9 : memref<625x64xf32, #tpu.memory_space<vmem>>)
      %dma_start3A_143 = arith.constant 1 : i32
      %dma_start3A_144 = arith.constant 0 : i32
      %dma_start3A_145 = tpu.memref_slice %arg7[%dma_start3A_143, %dma_start3A_144] : memref<4x625xi32, #tpu.memory_space<vmem>> -> memref<1x625xi32, #tpu.memory_space<vmem>>
      %dma_start3A_146 = tpu.memref_squeeze %dma_start3A_145 : memref<1x625xi32, #tpu.memory_space<vmem>> -> memref<625xi32, #tpu.memory_space<vmem>>
      %dma_start3A_147 = arith.constant 0 : i32
      %dma_start3A_148 = arith.constant 0 : i32
      %dma_start3A_149 = tpu.memref_slice %arg10[%dma_start3A_147, %dma_start3A_148] : memref<10240x64xf32, #tpu.memory_space<vmem_shared>> -> memref<10240x64xf32, #tpu.memory_space<vmem_shared>>
      tpu.enqueue_indirect_dma source(%arg9 : memref<625x64xf32, #tpu.memory_space<vmem>>) target(%dma_start3A_149 : memref<10240x64xf32, #tpu.memory_space<vmem_shared>>) offsets(%dma_start3A_146 : memref<625xi32, #tpu.memory_space<vmem>>) semaphore(%arg12 : memref<!tpu.dma_semaphore, #tpu.memory_space<semaphore_mem>>) {add = true}
      %ge3A_150 = arith.constant 1 : i32
      %ge3A_151 = arith.cmpi sge, %add3A_131, %ge3A_150 : i32
      %convert_element_type3A_152 = arith.extui %ge3A_151 : i1 to i32
      %cond3A_153 = arith.constant 0 : i32
      %cond3A_154 = arith.cmpi ne, %convert_element_type3A_152, %cond3A_153 : i32
      scf.if %cond3A_154 {
        %dma_wait3A_247 = arith.constant 0 : i32
        %dma_wait3A_248 = arith.constant 0 : i32
        %dma_wait3A_249 = tpu.memref_slice %arg7[%dma_wait3A_247, %dma_wait3A_248] : memref<4x625xi32, #tpu.memory_space<vmem>> -> memref<1x625xi32, #tpu.memory_space<vmem>>
        %dma_wait3A_250 = tpu.memref_squeeze %dma_wait3A_249 : memref<1x625xi32, #tpu.memory_space<vmem>> -> memref<625xi32, #tpu.memory_space<vmem>>
        %dma_wait3A_251 = arith.constant 0 : i32
        %dma_wait3A_252 = arith.constant 0 : i32
        %dma_wait3A_253 = tpu.memref_slice %arg10[%dma_wait3A_251, %dma_wait3A_252] : memref<10240x64xf32, #tpu.memory_space<vmem_shared>> -> memref<10240x64xf32, #tpu.memory_space<vmem_shared>>
        tpu.wait_indirect_dma semaphore(%arg12 : memref<!tpu.dma_semaphore, #tpu.memory_space<semaphore_mem>>) src(%arg8 : memref<625x64xf32, #tpu.memory_space<vmem>>) dst(%dma_wait3A_253 : memref<10240x64xf32, #tpu.memory_space<vmem_shared>>)
      } else {
      }
      %add3A_155 = arith.constant 1 : i32
      %add3A_156 = arith.addi %add3A_131, %add3A_155 : i32
      %lt3A_157 = arith.constant 32 : i32
      %lt3A_158 = arith.cmpi slt, %add3A_156, %lt3A_157 : i32
      %convert_element_type3A_159 = arith.extui %lt3A_158 : i1 to i32
      %cond3A_160 = arith.constant 0 : i32
      %cond3A_161 = arith.cmpi ne, %convert_element_type3A_159, %cond3A_160 : i32
      scf.if %cond3A_161 {
        %add3A_247 = arith.constant 1 : i32
        %add3A_248 = arith.addi %add3A_131, %add3A_247 : i32
        %dma_wait3A_249 = arith.constant 0 : i32
        %dma_wait3A_250 = arith.constant 2 : i32
        %dma_wait3A_251 = arith.constant 0 : i32
        %dma_wait3A_252 = tpu.memref_slice %arg6[%dma_wait3A_250, %dma_wait3A_251] : memref<4x625xi32, #tpu.memory_space<vmem>> -> memref<1x625xi32, #tpu.memory_space<vmem>>
        %dma_wait3A_253 = tpu.memref_squeeze %dma_wait3A_252 : memref<1x625xi32, #tpu.memory_space<vmem>> -> memref<625xi32, #tpu.memory_space<vmem>>
        %dma_wait3A_254 = arith.constant 0 : i32
        %dma_wait3A_255 = tpu.memref_slice %arg3[%dma_wait3A_249, %arg1, %add3A_248, %dma_wait3A_254] : memref<2x16x32x625xi32, #tpu.memory_space<hbm>> -> memref<1x1x1x625xi32, #tpu.memory_space<hbm>>
        %dma_wait3A_256 = tpu.memref_squeeze %dma_wait3A_255 : memref<1x1x1x625xi32, #tpu.memory_space<hbm>> -> memref<625xi32, #tpu.memory_space<hbm>>
        %dma_wait3A_257 = arith.constant 0 : i32
        %dma_wait3A_258 = tpu.memref_slice %arg6[%dma_wait3A_250, %dma_wait3A_257] : memref<4x625xi32, #tpu.memory_space<vmem>> -> memref<1x625xi32, #tpu.memory_space<vmem>>
        %dma_wait3A_259 = tpu.memref_squeeze %dma_wait3A_258 : memref<1x625xi32, #tpu.memory_space<vmem>> -> memref<625xi32, #tpu.memory_space<vmem>>
        %dma_wait3A_260 = arith.constant 0 : i32
        %dma_wait3A_261 = tpu.memref_slice %arg3[%dma_wait3A_249, %arg1, %add3A_248, %dma_wait3A_260] : memref<2x16x32x625xi32, #tpu.memory_space<hbm>> -> memref<1x1x1x625xi32, #tpu.memory_space<hbm>>
        %dma_wait3A_262 = tpu.memref_squeeze %dma_wait3A_261 : memref<1x1x1x625xi32, #tpu.memory_space<hbm>> -> memref<625xi32, #tpu.memory_space<hbm>>
        tpu.wait_dma2 semaphore(%arg13 : memref<!tpu.dma_semaphore, #tpu.memory_space<semaphore_mem>>) src(%dma_wait3A_262 : memref<625xi32, #tpu.memory_space<hbm>>) dst(%dma_wait3A_259 : memref<625xi32, #tpu.memory_space<vmem>>)
        %add3A_263 = arith.constant 1 : i32
        %add3A_264 = arith.addi %add3A_131, %add3A_263 : i32
        %dma_wait3A_265 = arith.constant 1 : i32
        %dma_wait3A_266 = arith.constant 2 : i32
        %dma_wait3A_267 = arith.constant 0 : i32
        %dma_wait3A_268 = tpu.memref_slice %arg7[%dma_wait3A_266, %dma_wait3A_267] : memref<4x625xi32, #tpu.memory_space<vmem>> -> memref<1x625xi32, #tpu.memory_space<vmem>>
        %dma_wait3A_269 = tpu.memref_squeeze %dma_wait3A_268 : memref<1x625xi32, #tpu.memory_space<vmem>> -> memref<625xi32, #tpu.memory_space<vmem>>
        %dma_wait3A_270 = arith.constant 0 : i32
        %dma_wait3A_271 = tpu.memref_slice %arg3[%dma_wait3A_265, %arg1, %add3A_264, %dma_wait3A_270] : memref<2x16x32x625xi32, #tpu.memory_space<hbm>> -> memref<1x1x1x625xi32, #tpu.memory_space<hbm>>
        %dma_wait3A_272 = tpu.memref_squeeze %dma_wait3A_271 : memref<1x1x1x625xi32, #tpu.memory_space<hbm>> -> memref<625xi32, #tpu.memory_space<hbm>>
        %dma_wait3A_273 = arith.constant 0 : i32
        %dma_wait3A_274 = tpu.memref_slice %arg7[%dma_wait3A_266, %dma_wait3A_273] : memref<4x625xi32, #tpu.memory_space<vmem>> -> memref<1x625xi32, #tpu.memory_space<vmem>>
        %dma_wait3A_275 = tpu.memref_squeeze %dma_wait3A_274 : memref<1x625xi32, #tpu.memory_space<vmem>> -> memref<625xi32, #tpu.memory_space<vmem>>
        %dma_wait3A_276 = arith.constant 0 : i32
        %dma_wait3A_277 = tpu.memref_slice %arg3[%dma_wait3A_265, %arg1, %add3A_264, %dma_wait3A_276] : memref<2x16x32x625xi32, #tpu.memory_space<hbm>> -> memref<1x1x1x625xi32, #tpu.memory_space<hbm>>
        %dma_wait3A_278 = tpu.memref_squeeze %dma_wait3A_277 : memref<1x1x1x625xi32, #tpu.memory_space<hbm>> -> memref<625xi32, #tpu.memory_space<hbm>>
        tpu.wait_dma2 semaphore(%arg13 : memref<!tpu.dma_semaphore, #tpu.memory_space<semaphore_mem>>) src(%dma_wait3A_278 : memref<625xi32, #tpu.memory_space<hbm>>) dst(%dma_wait3A_275 : memref<625xi32, #tpu.memory_space<vmem>>)
        %dma_start3A_279 = arith.constant 2 : i32
        %dma_start3A_280 = arith.constant 0 : i32
        %dma_start3A_281 = tpu.memref_slice %arg6[%dma_start3A_279, %dma_start3A_280] : memref<4x625xi32, #tpu.memory_space<vmem>> -> memref<1x625xi32, #tpu.memory_space<vmem>>
        %dma_start3A_282 = tpu.memref_squeeze %dma_start3A_281 : memref<1x625xi32, #tpu.memory_space<vmem>> -> memref<625xi32, #tpu.memory_space<vmem>>
        %dma_start3A_283 = arith.constant 0 : i32
        %dma_start3A_284 = arith.constant 0 : i32
        %dma_start3A_285 = tpu.memref_slice %arg2[%arg0, %dma_start3A_283, %dma_start3A_284] : memref<2x10000x64xf32, #tpu.memory_space<hbm>> -> memref<1x10000x64xf32, #tpu.memory_space<hbm>>
        %dma_start3A_286 = tpu.memref_squeeze %dma_start3A_285 : memref<1x10000x64xf32, #tpu.memory_space<hbm>> -> memref<10000x64xf32, #tpu.memory_space<hbm>>
        %dma_start3A_287 = arith.constant 0 : i32
        %dma_start3A_288 = arith.constant 0 : i32
        %dma_start3A_289 = tpu.memref_slice %dma_start3A_286[%dma_start3A_287, %dma_start3A_288] : memref<10000x64xf32, #tpu.memory_space<hbm>> -> memref<10000x64xf32, #tpu.memory_space<hbm>>
        tpu.enqueue_indirect_dma source(%dma_start3A_289 : memref<10000x64xf32, #tpu.memory_space<hbm>>) target(%arg8 : memref<625x64xf32, #tpu.memory_space<vmem>>) offsets(%dma_start3A_282 : memref<625xi32, #tpu.memory_space<vmem>>) semaphore(%arg11 : memref<!tpu.dma_semaphore, #tpu.memory_space<semaphore_mem>>)
      } else {
      }
      %add3A_162 = arith.constant 3 : i32
      %add3A_163 = arith.addi %add3A_131, %add3A_162 : i32
      %lt3A_164 = arith.constant 32 : i32
      %lt3A_165 = arith.cmpi slt, %add3A_163, %lt3A_164 : i32
      %convert_element_type3A_166 = arith.extui %lt3A_165 : i1 to i32
      %cond3A_167 = arith.constant 0 : i32
      %cond3A_168 = arith.cmpi ne, %convert_element_type3A_166, %cond3A_167 : i32
      scf.if %cond3A_168 {
        %add3A_247 = arith.constant 3 : i32
        %add3A_248 = arith.addi %add3A_131, %add3A_247 : i32
        %dma_start3A_249 = arith.constant 0 : i32
        %dma_start3A_250 = arith.constant 0 : i32
        %dma_start3A_251 = arith.constant 0 : i32
        %dma_start3A_252 = tpu.memref_slice %arg6[%dma_start3A_250, %dma_start3A_251] : memref<4x625xi32, #tpu.memory_space<vmem>> -> memref<1x625xi32, #tpu.memory_space<vmem>>
        %dma_start3A_253 = tpu.memref_squeeze %dma_start3A_252 : memref<1x625xi32, #tpu.memory_space<vmem>> -> memref<625xi32, #tpu.memory_space<vmem>>
        %dma_start3A_254 = arith.constant 0 : i32
        %dma_start3A_255 = tpu.memref_slice %arg3[%dma_start3A_249, %arg1, %add3A_248, %dma_start3A_254] : memref<2x16x32x625xi32, #tpu.memory_space<hbm>> -> memref<1x1x1x625xi32, #tpu.memory_space<hbm>>
        %dma_start3A_256 = tpu.memref_squeeze %dma_start3A_255 : memref<1x1x1x625xi32, #tpu.memory_space<hbm>> -> memref<625xi32, #tpu.memory_space<hbm>>
        %dma_start3A_257 = arith.constant 0 : i32
        %dma_start3A_258 = tpu.memref_slice %arg6[%dma_start3A_250, %dma_start3A_257] : memref<4x625xi32, #tpu.memory_space<vmem>> -> memref<1x625xi32, #tpu.memory_space<vmem>>
        %dma_start3A_259 = tpu.memref_squeeze %dma_start3A_258 : memref<1x625xi32, #tpu.memory_space<vmem>> -> memref<625xi32, #tpu.memory_space<vmem>>
        %dma_start3A_260 = arith.constant 0 : i32
        %dma_start3A_261 = tpu.memref_slice %arg3[%dma_start3A_249, %arg1, %add3A_248, %dma_start3A_260] : memref<2x16x32x625xi32, #tpu.memory_space<hbm>> -> memref<1x1x1x625xi32, #tpu.memory_space<hbm>>
        %dma_start3A_262 = tpu.memref_squeeze %dma_start3A_261 : memref<1x1x1x625xi32, #tpu.memory_space<hbm>> -> memref<625xi32, #tpu.memory_space<hbm>>
        tpu.enqueue_dma source(%dma_start3A_262 : memref<625xi32, #tpu.memory_space<hbm>>) target(%dma_start3A_259 : memref<625xi32, #tpu.memory_space<vmem>>) target_semaphore(%arg13 : memref<!tpu.dma_semaphore, #tpu.memory_space<semaphore_mem>>)
        %add3A_263 = arith.constant 3 : i32
        %add3A_264 = arith.addi %add3A_131, %add3A_263 : i32
        %dma_start3A_265 = arith.constant 1 : i32
        %dma_start3A_266 = arith.constant 0 : i32
        %dma_start3A_267 = arith.constant 0 : i32
        %dma_start3A_268 = tpu.memref_slice %arg7[%dma_start3A_266, %dma_start3A_267] : memref<4x625xi32, #tpu.memory_space<vmem>> -> memref<1x625xi32, #tpu.memory_space<vmem>>
        %dma_start3A_269 = tpu.memref_squeeze %dma_start3A_268 : memref<1x625xi32, #tpu.memory_space<vmem>> -> memref<625xi32, #tpu.memory_space<vmem>>
        %dma_start3A_270 = arith.constant 0 : i32
        %dma_start3A_271 = tpu.memref_slice %arg3[%dma_start3A_265, %arg1, %add3A_264, %dma_start3A_270] : memref<2x16x32x625xi32, #tpu.memory_space<hbm>> -> memref<1x1x1x625xi32, #tpu.memory_space<hbm>>
        %dma_start3A_272 = tpu.memref_squeeze %dma_start3A_271 : memref<1x1x1x625xi32, #tpu.memory_space<hbm>> -> memref<625xi32, #tpu.memory_space<hbm>>
        %dma_start3A_273 = arith.constant 0 : i32
        %dma_start3A_274 = tpu.memref_slice %arg7[%dma_start3A_266, %dma_start3A_273] : memref<4x625xi32, #tpu.memory_space<vmem>> -> memref<1x625xi32, #tpu.memory_space<vmem>>
        %dma_start3A_275 = tpu.memref_squeeze %dma_start3A_274 : memref<1x625xi32, #tpu.memory_space<vmem>> -> memref<625xi32, #tpu.memory_space<vmem>>
        %dma_start3A_276 = arith.constant 0 : i32
        %dma_start3A_277 = tpu.memref_slice %arg3[%dma_start3A_265, %arg1, %add3A_264, %dma_start3A_276] : memref<2x16x32x625xi32, #tpu.memory_space<hbm>> -> memref<1x1x1x625xi32, #tpu.memory_space<hbm>>
        %dma_start3A_278 = tpu.memref_squeeze %dma_start3A_277 : memref<1x1x1x625xi32, #tpu.memory_space<hbm>> -> memref<625xi32, #tpu.memory_space<hbm>>
        tpu.enqueue_dma source(%dma_start3A_278 : memref<625xi32, #tpu.memory_space<hbm>>) target(%dma_start3A_275 : memref<625xi32, #tpu.memory_space<vmem>>) target_semaphore(%arg13 : memref<!tpu.dma_semaphore, #tpu.memory_space<semaphore_mem>>)
      } else {
      }
      %add3A_169 = arith.constant 2 : i32
      %add3A_170 = arith.addi %add3A_94, %add3A_169 : i32
      %dma_wait3A_171 = arith.constant 2 : i32
      %dma_wait3A_172 = arith.constant 0 : i32
      %dma_wait3A_173 = tpu.memref_slice %arg6[%dma_wait3A_171, %dma_wait3A_172] : memref<4x625xi32, #tpu.memory_space<vmem>> -> memref<1x625xi32, #tpu.memory_space<vmem>>
      %dma_wait3A_174 = tpu.memref_squeeze %dma_wait3A_173 : memref<1x625xi32, #tpu.memory_space<vmem>> -> memref<625xi32, #tpu.memory_space<vmem>>
      %dma_wait3A_175 = arith.constant 0 : i32
      %dma_wait3A_176 = arith.constant 0 : i32
      %dma_wait3A_177 = tpu.memref_slice %arg2[%arg0, %dma_wait3A_175, %dma_wait3A_176] : memref<2x10000x64xf32, #tpu.memory_space<hbm>> -> memref<1x10000x64xf32, #tpu.memory_space<hbm>>
      %dma_wait3A_178 = tpu.memref_squeeze %dma_wait3A_177 : memref<1x10000x64xf32, #tpu.memory_space<hbm>> -> memref<10000x64xf32, #tpu.memory_space<hbm>>
      %dma_wait3A_179 = arith.constant 0 : i32
      %dma_wait3A_180 = arith.constant 0 : i32
      %dma_wait3A_181 = tpu.memref_slice %dma_wait3A_178[%dma_wait3A_179, %dma_wait3A_180] : memref<10000x64xf32, #tpu.memory_space<hbm>> -> memref<10000x64xf32, #tpu.memory_space<hbm>>
      tpu.wait_indirect_dma semaphore(%arg11 : memref<!tpu.dma_semaphore, #tpu.memory_space<semaphore_mem>>) src(%dma_wait3A_181 : memref<10000x64xf32, #tpu.memory_space<hbm>>) dst(%arg8 : memref<625x64xf32, #tpu.memory_space<vmem>>)
      %dma_start3A_182 = arith.constant 2 : i32
      %dma_start3A_183 = arith.constant 0 : i32
      %dma_start3A_184 = tpu.memref_slice %arg7[%dma_start3A_182, %dma_start3A_183] : memref<4x625xi32, #tpu.memory_space<vmem>> -> memref<1x625xi32, #tpu.memory_space<vmem>>
      %dma_start3A_185 = tpu.memref_squeeze %dma_start3A_184 : memref<1x625xi32, #tpu.memory_space<vmem>> -> memref<625xi32, #tpu.memory_space<vmem>>
      %dma_start3A_186 = arith.constant 0 : i32
      %dma_start3A_187 = arith.constant 0 : i32
      %dma_start3A_188 = tpu.memref_slice %arg10[%dma_start3A_186, %dma_start3A_187] : memref<10240x64xf32, #tpu.memory_space<vmem_shared>> -> memref<10240x64xf32, #tpu.memory_space<vmem_shared>>
      tpu.enqueue_indirect_dma source(%arg8 : memref<625x64xf32, #tpu.memory_space<vmem>>) target(%dma_start3A_188 : memref<10240x64xf32, #tpu.memory_space<vmem_shared>>) offsets(%dma_start3A_185 : memref<625xi32, #tpu.memory_space<vmem>>) semaphore(%arg12 : memref<!tpu.dma_semaphore, #tpu.memory_space<semaphore_mem>>) {add = true}
      %ge3A_189 = arith.constant 1 : i32
      %ge3A_190 = arith.cmpi sge, %add3A_170, %ge3A_189 : i32
      %convert_element_type3A_191 = arith.extui %ge3A_190 : i1 to i32
      %cond3A_192 = arith.constant 0 : i32
      %cond3A_193 = arith.cmpi ne, %convert_element_type3A_191, %cond3A_192 : i32
      scf.if %cond3A_193 {
        %dma_wait3A_247 = arith.constant 1 : i32
        %dma_wait3A_248 = arith.constant 0 : i32
        %dma_wait3A_249 = tpu.memref_slice %arg7[%dma_wait3A_247, %dma_wait3A_248] : memref<4x625xi32, #tpu.memory_space<vmem>> -> memref<1x625xi32, #tpu.memory_space<vmem>>
        %dma_wait3A_250 = tpu.memref_squeeze %dma_wait3A_249 : memref<1x625xi32, #tpu.memory_space<vmem>> -> memref<625xi32, #tpu.memory_space<vmem>>
        %dma_wait3A_251 = arith.constant 0 : i32
        %dma_wait3A_252 = arith.constant 0 : i32
        %dma_wait3A_253 = tpu.memref_slice %arg10[%dma_wait3A_251, %dma_wait3A_252] : memref<10240x64xf32, #tpu.memory_space<vmem_shared>> -> memref<10240x64xf32, #tpu.memory_space<vmem_shared>>
        tpu.wait_indirect_dma semaphore(%arg12 : memref<!tpu.dma_semaphore, #tpu.memory_space<semaphore_mem>>) src(%arg9 : memref<625x64xf32, #tpu.memory_space<vmem>>) dst(%dma_wait3A_253 : memref<10240x64xf32, #tpu.memory_space<vmem_shared>>)
      } else {
      }
      %add3A_194 = arith.constant 1 : i32
      %add3A_195 = arith.addi %add3A_170, %add3A_194 : i32
      %lt3A_196 = arith.constant 32 : i32
      %lt3A_197 = arith.cmpi slt, %add3A_195, %lt3A_196 : i32
      %convert_element_type3A_198 = arith.extui %lt3A_197 : i1 to i32
      %cond3A_199 = arith.constant 0 : i32
      %cond3A_200 = arith.cmpi ne, %convert_element_type3A_198, %cond3A_199 : i32
      scf.if %cond3A_200 {
        %add3A_247 = arith.constant 1 : i32
        %add3A_248 = arith.addi %add3A_170, %add3A_247 : i32
        %dma_wait3A_249 = arith.constant 0 : i32
        %dma_wait3A_250 = arith.constant 3 : i32
        %dma_wait3A_251 = arith.constant 0 : i32
        %dma_wait3A_252 = tpu.memref_slice %arg6[%dma_wait3A_250, %dma_wait3A_251] : memref<4x625xi32, #tpu.memory_space<vmem>> -> memref<1x625xi32, #tpu.memory_space<vmem>>
        %dma_wait3A_253 = tpu.memref_squeeze %dma_wait3A_252 : memref<1x625xi32, #tpu.memory_space<vmem>> -> memref<625xi32, #tpu.memory_space<vmem>>
        %dma_wait3A_254 = arith.constant 0 : i32
        %dma_wait3A_255 = tpu.memref_slice %arg3[%dma_wait3A_249, %arg1, %add3A_248, %dma_wait3A_254] : memref<2x16x32x625xi32, #tpu.memory_space<hbm>> -> memref<1x1x1x625xi32, #tpu.memory_space<hbm>>
        %dma_wait3A_256 = tpu.memref_squeeze %dma_wait3A_255 : memref<1x1x1x625xi32, #tpu.memory_space<hbm>> -> memref<625xi32, #tpu.memory_space<hbm>>
        %dma_wait3A_257 = arith.constant 0 : i32
        %dma_wait3A_258 = tpu.memref_slice %arg6[%dma_wait3A_250, %dma_wait3A_257] : memref<4x625xi32, #tpu.memory_space<vmem>> -> memref<1x625xi32, #tpu.memory_space<vmem>>
        %dma_wait3A_259 = tpu.memref_squeeze %dma_wait3A_258 : memref<1x625xi32, #tpu.memory_space<vmem>> -> memref<625xi32, #tpu.memory_space<vmem>>
        %dma_wait3A_260 = arith.constant 0 : i32
        %dma_wait3A_261 = tpu.memref_slice %arg3[%dma_wait3A_249, %arg1, %add3A_248, %dma_wait3A_260] : memref<2x16x32x625xi32, #tpu.memory_space<hbm>> -> memref<1x1x1x625xi32, #tpu.memory_space<hbm>>
        %dma_wait3A_262 = tpu.memref_squeeze %dma_wait3A_261 : memref<1x1x1x625xi32, #tpu.memory_space<hbm>> -> memref<625xi32, #tpu.memory_space<hbm>>
        tpu.wait_dma2 semaphore(%arg13 : memref<!tpu.dma_semaphore, #tpu.memory_space<semaphore_mem>>) src(%dma_wait3A_262 : memref<625xi32, #tpu.memory_space<hbm>>) dst(%dma_wait3A_259 : memref<625xi32, #tpu.memory_space<vmem>>)
        %add3A_263 = arith.constant 1 : i32
        %add3A_264 = arith.addi %add3A_170, %add3A_263 : i32
        %dma_wait3A_265 = arith.constant 1 : i32
        %dma_wait3A_266 = arith.constant 3 : i32
        %dma_wait3A_267 = arith.constant 0 : i32
        %dma_wait3A_268 = tpu.memref_slice %arg7[%dma_wait3A_266, %dma_wait3A_267] : memref<4x625xi32, #tpu.memory_space<vmem>> -> memref<1x625xi32, #tpu.memory_space<vmem>>
        %dma_wait3A_269 = tpu.memref_squeeze %dma_wait3A_268 : memref<1x625xi32, #tpu.memory_space<vmem>> -> memref<625xi32, #tpu.memory_space<vmem>>
        %dma_wait3A_270 = arith.constant 0 : i32
        %dma_wait3A_271 = tpu.memref_slice %arg3[%dma_wait3A_265, %arg1, %add3A_264, %dma_wait3A_270] : memref<2x16x32x625xi32, #tpu.memory_space<hbm>> -> memref<1x1x1x625xi32, #tpu.memory_space<hbm>>
        %dma_wait3A_272 = tpu.memref_squeeze %dma_wait3A_271 : memref<1x1x1x625xi32, #tpu.memory_space<hbm>> -> memref<625xi32, #tpu.memory_space<hbm>>
        %dma_wait3A_273 = arith.constant 0 : i32
        %dma_wait3A_274 = tpu.memref_slice %arg7[%dma_wait3A_266, %dma_wait3A_273] : memref<4x625xi32, #tpu.memory_space<vmem>> -> memref<1x625xi32, #tpu.memory_space<vmem>>
        %dma_wait3A_275 = tpu.memref_squeeze %dma_wait3A_274 : memref<1x625xi32, #tpu.memory_space<vmem>> -> memref<625xi32, #tpu.memory_space<vmem>>
        %dma_wait3A_276 = arith.constant 0 : i32
        %dma_wait3A_277 = tpu.memref_slice %arg3[%dma_wait3A_265, %arg1, %add3A_264, %dma_wait3A_276] : memref<2x16x32x625xi32, #tpu.memory_space<hbm>> -> memref<1x1x1x625xi32, #tpu.memory_space<hbm>>
        %dma_wait3A_278 = tpu.memref_squeeze %dma_wait3A_277 : memref<1x1x1x625xi32, #tpu.memory_space<hbm>> -> memref<625xi32, #tpu.memory_space<hbm>>
        tpu.wait_dma2 semaphore(%arg13 : memref<!tpu.dma_semaphore, #tpu.memory_space<semaphore_mem>>) src(%dma_wait3A_278 : memref<625xi32, #tpu.memory_space<hbm>>) dst(%dma_wait3A_275 : memref<625xi32, #tpu.memory_space<vmem>>)
        %dma_start3A_279 = arith.constant 3 : i32
        %dma_start3A_280 = arith.constant 0 : i32
        %dma_start3A_281 = tpu.memref_slice %arg6[%dma_start3A_279, %dma_start3A_280] : memref<4x625xi32, #tpu.memory_space<vmem>> -> memref<1x625xi32, #tpu.memory_space<vmem>>
        %dma_start3A_282 = tpu.memref_squeeze %dma_start3A_281 : memref<1x625xi32, #tpu.memory_space<vmem>> -> memref<625xi32, #tpu.memory_space<vmem>>
        %dma_start3A_283 = arith.constant 0 : i32
        %dma_start3A_284 = arith.constant 0 : i32
        %dma_start3A_285 = tpu.memref_slice %arg2[%arg0, %dma_start3A_283, %dma_start3A_284] : memref<2x10000x64xf32, #tpu.memory_space<hbm>> -> memref<1x10000x64xf32, #tpu.memory_space<hbm>>
        %dma_start3A_286 = tpu.memref_squeeze %dma_start3A_285 : memref<1x10000x64xf32, #tpu.memory_space<hbm>> -> memref<10000x64xf32, #tpu.memory_space<hbm>>
        %dma_start3A_287 = arith.constant 0 : i32
        %dma_start3A_288 = arith.constant 0 : i32
        %dma_start3A_289 = tpu.memref_slice %dma_start3A_286[%dma_start3A_287, %dma_start3A_288] : memref<10000x64xf32, #tpu.memory_space<hbm>> -> memref<10000x64xf32, #tpu.memory_space<hbm>>
        tpu.enqueue_indirect_dma source(%dma_start3A_289 : memref<10000x64xf32, #tpu.memory_space<hbm>>) target(%arg9 : memref<625x64xf32, #tpu.memory_space<vmem>>) offsets(%dma_start3A_282 : memref<625xi32, #tpu.memory_space<vmem>>) semaphore(%arg11 : memref<!tpu.dma_semaphore, #tpu.memory_space<semaphore_mem>>)
      } else {
      }
      %add3A_201 = arith.constant 3 : i32
      %add3A_202 = arith.addi %add3A_170, %add3A_201 : i32
      %lt3A_203 = arith.constant 32 : i32
      %lt3A_204 = arith.cmpi slt, %add3A_202, %lt3A_203 : i32
      %convert_element_type3A_205 = arith.extui %lt3A_204 : i1 to i32
      %cond3A_206 = arith.constant 0 : i32
      %cond3A_207 = arith.cmpi ne, %convert_element_type3A_205, %cond3A_206 : i32
      scf.if %cond3A_207 {
        %add3A_247 = arith.constant 3 : i32
        %add3A_248 = arith.addi %add3A_170, %add3A_247 : i32
        %dma_start3A_249 = arith.constant 0 : i32
        %dma_start3A_250 = arith.constant 1 : i32
        %dma_start3A_251 = arith.constant 0 : i32
        %dma_start3A_252 = tpu.memref_slice %arg6[%dma_start3A_250, %dma_start3A_251] : memref<4x625xi32, #tpu.memory_space<vmem>> -> memref<1x625xi32, #tpu.memory_space<vmem>>
        %dma_start3A_253 = tpu.memref_squeeze %dma_start3A_252 : memref<1x625xi32, #tpu.memory_space<vmem>> -> memref<625xi32, #tpu.memory_space<vmem>>
        %dma_start3A_254 = arith.constant 0 : i32
        %dma_start3A_255 = tpu.memref_slice %arg3[%dma_start3A_249, %arg1, %add3A_248, %dma_start3A_254] : memref<2x16x32x625xi32, #tpu.memory_space<hbm>> -> memref<1x1x1x625xi32, #tpu.memory_space<hbm>>
        %dma_start3A_256 = tpu.memref_squeeze %dma_start3A_255 : memref<1x1x1x625xi32, #tpu.memory_space<hbm>> -> memref<625xi32, #tpu.memory_space<hbm>>
        %dma_start3A_257 = arith.constant 0 : i32
        %dma_start3A_258 = tpu.memref_slice %arg6[%dma_start3A_250, %dma_start3A_257] : memref<4x625xi32, #tpu.memory_space<vmem>> -> memref<1x625xi32, #tpu.memory_space<vmem>>
        %dma_start3A_259 = tpu.memref_squeeze %dma_start3A_258 : memref<1x625xi32, #tpu.memory_space<vmem>> -> memref<625xi32, #tpu.memory_space<vmem>>
        %dma_start3A_260 = arith.constant 0 : i32
        %dma_start3A_261 = tpu.memref_slice %arg3[%dma_start3A_249, %arg1, %add3A_248, %dma_start3A_260] : memref<2x16x32x625xi32, #tpu.memory_space<hbm>> -> memref<1x1x1x625xi32, #tpu.memory_space<hbm>>
        %dma_start3A_262 = tpu.memref_squeeze %dma_start3A_261 : memref<1x1x1x625xi32, #tpu.memory_space<hbm>> -> memref<625xi32, #tpu.memory_space<hbm>>
        tpu.enqueue_dma source(%dma_start3A_262 : memref<625xi32, #tpu.memory_space<hbm>>) target(%dma_start3A_259 : memref<625xi32, #tpu.memory_space<vmem>>) target_semaphore(%arg13 : memref<!tpu.dma_semaphore, #tpu.memory_space<semaphore_mem>>)
        %add3A_263 = arith.constant 3 : i32
        %add3A_264 = arith.addi %add3A_170, %add3A_263 : i32
        %dma_start3A_265 = arith.constant 1 : i32
        %dma_start3A_266 = arith.constant 1 : i32
        %dma_start3A_267 = arith.constant 0 : i32
        %dma_start3A_268 = tpu.memref_slice %arg7[%dma_start3A_266, %dma_start3A_267] : memref<4x625xi32, #tpu.memory_space<vmem>> -> memref<1x625xi32, #tpu.memory_space<vmem>>
        %dma_start3A_269 = tpu.memref_squeeze %dma_start3A_268 : memref<1x625xi32, #tpu.memory_space<vmem>> -> memref<625xi32, #tpu.memory_space<vmem>>
        %dma_start3A_270 = arith.constant 0 : i32
        %dma_start3A_271 = tpu.memref_slice %arg3[%dma_start3A_265, %arg1, %add3A_264, %dma_start3A_270] : memref<2x16x32x625xi32, #tpu.memory_space<hbm>> -> memref<1x1x1x625xi32, #tpu.memory_space<hbm>>
        %dma_start3A_272 = tpu.memref_squeeze %dma_start3A_271 : memref<1x1x1x625xi32, #tpu.memory_space<hbm>> -> memref<625xi32, #tpu.memory_space<hbm>>
        %dma_start3A_273 = arith.constant 0 : i32
        %dma_start3A_274 = tpu.memref_slice %arg7[%dma_start3A_266, %dma_start3A_273] : memref<4x625xi32, #tpu.memory_space<vmem>> -> memref<1x625xi32, #tpu.memory_space<vmem>>
        %dma_start3A_275 = tpu.memref_squeeze %dma_start3A_274 : memref<1x625xi32, #tpu.memory_space<vmem>> -> memref<625xi32, #tpu.memory_space<vmem>>
        %dma_start3A_276 = arith.constant 0 : i32
        %dma_start3A_277 = tpu.memref_slice %arg3[%dma_start3A_265, %arg1, %add3A_264, %dma_start3A_276] : memref<2x16x32x625xi32, #tpu.memory_space<hbm>> -> memref<1x1x1x625xi32, #tpu.memory_space<hbm>>
        %dma_start3A_278 = tpu.memref_squeeze %dma_start3A_277 : memref<1x1x1x625xi32, #tpu.memory_space<hbm>> -> memref<625xi32, #tpu.memory_space<hbm>>
        tpu.enqueue_dma source(%dma_start3A_278 : memref<625xi32, #tpu.memory_space<hbm>>) target(%dma_start3A_275 : memref<625xi32, #tpu.memory_space<vmem>>) target_semaphore(%arg13 : memref<!tpu.dma_semaphore, #tpu.memory_space<semaphore_mem>>)
      } else {
      }
      %add3A_208 = arith.constant 3 : i32
      %add3A_209 = arith.addi %add3A_94, %add3A_208 : i32
      %dma_wait3A_210 = arith.constant 3 : i32
      %dma_wait3A_211 = arith.constant 0 : i32
      %dma_wait3A_212 = tpu.memref_slice %arg6[%dma_wait3A_210, %dma_wait3A_211] : memref<4x625xi32, #tpu.memory_space<vmem>> -> memref<1x625xi32, #tpu.memory_space<vmem>>
      %dma_wait3A_213 = tpu.memref_squeeze %dma_wait3A_212 : memref<1x625xi32, #tpu.memory_space<vmem>> -> memref<625xi32, #tpu.memory_space<vmem>>
      %dma_wait3A_214 = arith.constant 0 : i32
      %dma_wait3A_215 = arith.constant 0 : i32
      %dma_wait3A_216 = tpu.memref_slice %arg2[%arg0, %dma_wait3A_214, %dma_wait3A_215] : memref<2x10000x64xf32, #tpu.memory_space<hbm>> -> memref<1x10000x64xf32, #tpu.memory_space<hbm>>
      %dma_wait3A_217 = tpu.memref_squeeze %dma_wait3A_216 : memref<1x10000x64xf32, #tpu.memory_space<hbm>> -> memref<10000x64xf32, #tpu.memory_space<hbm>>
      %dma_wait3A_218 = arith.constant 0 : i32
      %dma_wait3A_219 = arith.constant 0 : i32
      %dma_wait3A_220 = tpu.memref_slice %dma_wait3A_217[%dma_wait3A_218, %dma_wait3A_219] : memref<10000x64xf32, #tpu.memory_space<hbm>> -> memref<10000x64xf32, #tpu.memory_space<hbm>>
      tpu.wait_indirect_dma semaphore(%arg11 : memref<!tpu.dma_semaphore, #tpu.memory_space<semaphore_mem>>) src(%dma_wait3A_220 : memref<10000x64xf32, #tpu.memory_space<hbm>>) dst(%arg9 : memref<625x64xf32, #tpu.memory_space<vmem>>)
      %dma_start3A_221 = arith.constant 3 : i32
      %dma_start3A_222 = arith.constant 0 : i32
      %dma_start3A_223 = tpu.memref_slice %arg7[%dma_start3A_221, %dma_start3A_222] : memref<4x625xi32, #tpu.memory_space<vmem>> -> memref<1x625xi32, #tpu.memory_space<vmem>>
      %dma_start3A_224 = tpu.memref_squeeze %dma_start3A_223 : memref<1x625xi32, #tpu.memory_space<vmem>> -> memref<625xi32, #tpu.memory_space<vmem>>
      %dma_start3A_225 = arith.constant 0 : i32
      %dma_start3A_226 = arith.constant 0 : i32
      %dma_start3A_227 = tpu.memref_slice %arg10[%dma_start3A_225, %dma_start3A_226] : memref<10240x64xf32, #tpu.memory_space<vmem_shared>> -> memref<10240x64xf32, #tpu.memory_space<vmem_shared>>
      tpu.enqueue_indirect_dma source(%arg9 : memref<625x64xf32, #tpu.memory_space<vmem>>) target(%dma_start3A_227 : memref<10240x64xf32, #tpu.memory_space<vmem_shared>>) offsets(%dma_start3A_224 : memref<625xi32, #tpu.memory_space<vmem>>) semaphore(%arg12 : memref<!tpu.dma_semaphore, #tpu.memory_space<semaphore_mem>>) {add = true}
      %ge3A_228 = arith.constant 1 : i32
      %ge3A_229 = arith.cmpi sge, %add3A_209, %ge3A_228 : i32
      %convert_element_type3A_230 = arith.extui %ge3A_229 : i1 to i32
      %cond3A_231 = arith.constant 0 : i32
      %cond3A_232 = arith.cmpi ne, %convert_element_type3A_230, %cond3A_231 : i32
      scf.if %cond3A_232 {
        %dma_wait3A_247 = arith.constant 2 : i32
        %dma_wait3A_248 = arith.constant 0 : i32
        %dma_wait3A_249 = tpu.memref_slice %arg7[%dma_wait3A_247, %dma_wait3A_248] : memref<4x625xi32, #tpu.memory_space<vmem>> -> memref<1x625xi32, #tpu.memory_space<vmem>>
        %dma_wait3A_250 = tpu.memref_squeeze %dma_wait3A_249 : memref<1x625xi32, #tpu.memory_space<vmem>> -> memref<625xi32, #tpu.memory_space<vmem>>
        %dma_wait3A_251 = arith.constant 0 : i32
        %dma_wait3A_252 = arith.constant 0 : i32
        %dma_wait3A_253 = tpu.memref_slice %arg10[%dma_wait3A_251, %dma_wait3A_252] : memref<10240x64xf32, #tpu.memory_space<vmem_shared>> -> memref<10240x64xf32, #tpu.memory_space<vmem_shared>>
        tpu.wait_indirect_dma semaphore(%arg12 : memref<!tpu.dma_semaphore, #tpu.memory_space<semaphore_mem>>) src(%arg8 : memref<625x64xf32, #tpu.memory_space<vmem>>) dst(%dma_wait3A_253 : memref<10240x64xf32, #tpu.memory_space<vmem_shared>>)
      } else {
      }
      %add3A_233 = arith.constant 1 : i32
      %add3A_234 = arith.addi %add3A_209, %add3A_233 : i32
      %lt3A_235 = arith.constant 32 : i32
      %lt3A_236 = arith.cmpi slt, %add3A_234, %lt3A_235 : i32
      %convert_element_type3A_237 = arith.extui %lt3A_236 : i1 to i32
      %cond3A_238 = arith.constant 0 : i32
      %cond3A_239 = arith.cmpi ne, %convert_element_type3A_237, %cond3A_238 : i32
      scf.if %cond3A_239 {
        %add3A_247 = arith.constant 1 : i32
        %add3A_248 = arith.addi %add3A_209, %add3A_247 : i32
        %dma_wait3A_249 = arith.constant 0 : i32
        %dma_wait3A_250 = arith.constant 0 : i32
        %dma_wait3A_251 = arith.constant 0 : i32
        %dma_wait3A_252 = tpu.memref_slice %arg6[%dma_wait3A_250, %dma_wait3A_251] : memref<4x625xi32, #tpu.memory_space<vmem>> -> memref<1x625xi32, #tpu.memory_space<vmem>>
        %dma_wait3A_253 = tpu.memref_squeeze %dma_wait3A_252 : memref<1x625xi32, #tpu.memory_space<vmem>> -> memref<625xi32, #tpu.memory_space<vmem>>
        %dma_wait3A_254 = arith.constant 0 : i32
        %dma_wait3A_255 = tpu.memref_slice %arg3[%dma_wait3A_249, %arg1, %add3A_248, %dma_wait3A_254] : memref<2x16x32x625xi32, #tpu.memory_space<hbm>> -> memref<1x1x1x625xi32, #tpu.memory_space<hbm>>
        %dma_wait3A_256 = tpu.memref_squeeze %dma_wait3A_255 : memref<1x1x1x625xi32, #tpu.memory_space<hbm>> -> memref<625xi32, #tpu.memory_space<hbm>>
        %dma_wait3A_257 = arith.constant 0 : i32
        %dma_wait3A_258 = tpu.memref_slice %arg6[%dma_wait3A_250, %dma_wait3A_257] : memref<4x625xi32, #tpu.memory_space<vmem>> -> memref<1x625xi32, #tpu.memory_space<vmem>>
        %dma_wait3A_259 = tpu.memref_squeeze %dma_wait3A_258 : memref<1x625xi32, #tpu.memory_space<vmem>> -> memref<625xi32, #tpu.memory_space<vmem>>
        %dma_wait3A_260 = arith.constant 0 : i32
        %dma_wait3A_261 = tpu.memref_slice %arg3[%dma_wait3A_249, %arg1, %add3A_248, %dma_wait3A_260] : memref<2x16x32x625xi32, #tpu.memory_space<hbm>> -> memref<1x1x1x625xi32, #tpu.memory_space<hbm>>
        %dma_wait3A_262 = tpu.memref_squeeze %dma_wait3A_261 : memref<1x1x1x625xi32, #tpu.memory_space<hbm>> -> memref<625xi32, #tpu.memory_space<hbm>>
        tpu.wait_dma2 semaphore(%arg13 : memref<!tpu.dma_semaphore, #tpu.memory_space<semaphore_mem>>) src(%dma_wait3A_262 : memref<625xi32, #tpu.memory_space<hbm>>) dst(%dma_wait3A_259 : memref<625xi32, #tpu.memory_space<vmem>>)
        %add3A_263 = arith.constant 1 : i32
        %add3A_264 = arith.addi %add3A_209, %add3A_263 : i32
        %dma_wait3A_265 = arith.constant 1 : i32
        %dma_wait3A_266 = arith.constant 0 : i32
        %dma_wait3A_267 = arith.constant 0 : i32
        %dma_wait3A_268 = tpu.memref_slice %arg7[%dma_wait3A_266, %dma_wait3A_267] : memref<4x625xi32, #tpu.memory_space<vmem>> -> memref<1x625xi32, #tpu.memory_space<vmem>>
        %dma_wait3A_269 = tpu.memref_squeeze %dma_wait3A_268 : memref<1x625xi32, #tpu.memory_space<vmem>> -> memref<625xi32, #tpu.memory_space<vmem>>
        %dma_wait3A_270 = arith.constant 0 : i32
        %dma_wait3A_271 = tpu.memref_slice %arg3[%dma_wait3A_265, %arg1, %add3A_264, %dma_wait3A_270] : memref<2x16x32x625xi32, #tpu.memory_space<hbm>> -> memref<1x1x1x625xi32, #tpu.memory_space<hbm>>
        %dma_wait3A_272 = tpu.memref_squeeze %dma_wait3A_271 : memref<1x1x1x625xi32, #tpu.memory_space<hbm>> -> memref<625xi32, #tpu.memory_space<hbm>>
        %dma_wait3A_273 = arith.constant 0 : i32
        %dma_wait3A_274 = tpu.memref_slice %arg7[%dma_wait3A_266, %dma_wait3A_273] : memref<4x625xi32, #tpu.memory_space<vmem>> -> memref<1x625xi32, #tpu.memory_space<vmem>>
        %dma_wait3A_275 = tpu.memref_squeeze %dma_wait3A_274 : memref<1x625xi32, #tpu.memory_space<vmem>> -> memref<625xi32, #tpu.memory_space<vmem>>
        %dma_wait3A_276 = arith.constant 0 : i32
        %dma_wait3A_277 = tpu.memref_slice %arg3[%dma_wait3A_265, %arg1, %add3A_264, %dma_wait3A_276] : memref<2x16x32x625xi32, #tpu.memory_space<hbm>> -> memref<1x1x1x625xi32, #tpu.memory_space<hbm>>
        %dma_wait3A_278 = tpu.memref_squeeze %dma_wait3A_277 : memref<1x1x1x625xi32, #tpu.memory_space<hbm>> -> memref<625xi32, #tpu.memory_space<hbm>>
        tpu.wait_dma2 semaphore(%arg13 : memref<!tpu.dma_semaphore, #tpu.memory_space<semaphore_mem>>) src(%dma_wait3A_278 : memref<625xi32, #tpu.memory_space<hbm>>) dst(%dma_wait3A_275 : memref<625xi32, #tpu.memory_space<vmem>>)
        %dma_start3A_279 = arith.constant 0 : i32
        %dma_start3A_280 = arith.constant 0 : i32
        %dma_start3A_281 = tpu.memref_slice %arg6[%dma_start3A_279, %dma_start3A_280] : memref<4x625xi32, #tpu.memory_space<vmem>> -> memref<1x625xi32, #tpu.memory_space<vmem>>
        %dma_start3A_282 = tpu.memref_squeeze %dma_start3A_281 : memref<1x625xi32, #tpu.memory_space<vmem>> -> memref<625xi32, #tpu.memory_space<vmem>>
        %dma_start3A_283 = arith.constant 0 : i32
        %dma_start3A_284 = arith.constant 0 : i32
        %dma_start3A_285 = tpu.memref_slice %arg2[%arg0, %dma_start3A_283, %dma_start3A_284] : memref<2x10000x64xf32, #tpu.memory_space<hbm>> -> memref<1x10000x64xf32, #tpu.memory_space<hbm>>
        %dma_start3A_286 = tpu.memref_squeeze %dma_start3A_285 : memref<1x10000x64xf32, #tpu.memory_space<hbm>> -> memref<10000x64xf32, #tpu.memory_space<hbm>>
        %dma_start3A_287 = arith.constant 0 : i32
        %dma_start3A_288 = arith.constant 0 : i32
        %dma_start3A_289 = tpu.memref_slice %dma_start3A_286[%dma_start3A_287, %dma_start3A_288] : memref<10000x64xf32, #tpu.memory_space<hbm>> -> memref<10000x64xf32, #tpu.memory_space<hbm>>
        tpu.enqueue_indirect_dma source(%dma_start3A_289 : memref<10000x64xf32, #tpu.memory_space<hbm>>) target(%arg8 : memref<625x64xf32, #tpu.memory_space<vmem>>) offsets(%dma_start3A_282 : memref<625xi32, #tpu.memory_space<vmem>>) semaphore(%arg11 : memref<!tpu.dma_semaphore, #tpu.memory_space<semaphore_mem>>)
      } else {
      }
      %add3A_240 = arith.constant 3 : i32
      %add3A_241 = arith.addi %add3A_209, %add3A_240 : i32
      %lt3A_242 = arith.constant 32 : i32
      %lt3A_243 = arith.cmpi slt, %add3A_241, %lt3A_242 : i32
      %convert_element_type3A_244 = arith.extui %lt3A_243 : i1 to i32
      %cond3A_245 = arith.constant 0 : i32
      %cond3A_246 = arith.cmpi ne, %convert_element_type3A_244, %cond3A_245 : i32
      scf.if %cond3A_246 {
        %add3A_247 = arith.constant 3 : i32
        %add3A_248 = arith.addi %add3A_209, %add3A_247 : i32
        %dma_start3A_249 = arith.constant 0 : i32
        %dma_start3A_250 = arith.constant 2 : i32
        %dma_start3A_251 = arith.constant 0 : i32
        %dma_start3A_252 = tpu.memref_slice %arg6[%dma_start3A_250, %dma_start3A_251] : memref<4x625xi32, #tpu.memory_space<vmem>> -> memref<1x625xi32, #tpu.memory_space<vmem>>
        %dma_start3A_253 = tpu.memref_squeeze %dma_start3A_252 : memref<1x625xi32, #tpu.memory_space<vmem>> -> memref<625xi32, #tpu.memory_space<vmem>>
        %dma_start3A_254 = arith.constant 0 : i32
        %dma_start3A_255 = tpu.memref_slice %arg3[%dma_start3A_249, %arg1, %add3A_248, %dma_start3A_254] : memref<2x16x32x625xi32, #tpu.memory_space<hbm>> -> memref<1x1x1x625xi32, #tpu.memory_space<hbm>>
        %dma_start3A_256 = tpu.memref_squeeze %dma_start3A_255 : memref<1x1x1x625xi32, #tpu.memory_space<hbm>> -> memref<625xi32, #tpu.memory_space<hbm>>
        %dma_start3A_257 = arith.constant 0 : i32
        %dma_start3A_258 = tpu.memref_slice %arg6[%dma_start3A_250, %dma_start3A_257] : memref<4x625xi32, #tpu.memory_space<vmem>> -> memref<1x625xi32, #tpu.memory_space<vmem>>
        %dma_start3A_259 = tpu.memref_squeeze %dma_start3A_258 : memref<1x625xi32, #tpu.memory_space<vmem>> -> memref<625xi32, #tpu.memory_space<vmem>>
        %dma_start3A_260 = arith.constant 0 : i32
        %dma_start3A_261 = tpu.memref_slice %arg3[%dma_start3A_249, %arg1, %add3A_248, %dma_start3A_260] : memref<2x16x32x625xi32, #tpu.memory_space<hbm>> -> memref<1x1x1x625xi32, #tpu.memory_space<hbm>>
        %dma_start3A_262 = tpu.memref_squeeze %dma_start3A_261 : memref<1x1x1x625xi32, #tpu.memory_space<hbm>> -> memref<625xi32, #tpu.memory_space<hbm>>
        tpu.enqueue_dma source(%dma_start3A_262 : memref<625xi32, #tpu.memory_space<hbm>>) target(%dma_start3A_259 : memref<625xi32, #tpu.memory_space<vmem>>) target_semaphore(%arg13 : memref<!tpu.dma_semaphore, #tpu.memory_space<semaphore_mem>>)
        %add3A_263 = arith.constant 3 : i32
        %add3A_264 = arith.addi %add3A_209, %add3A_263 : i32
        %dma_start3A_265 = arith.constant 1 : i32
        %dma_start3A_266 = arith.constant 2 : i32
        %dma_start3A_267 = arith.constant 0 : i32
        %dma_start3A_268 = tpu.memref_slice %arg7[%dma_start3A_266, %dma_start3A_267] : memref<4x625xi32, #tpu.memory_space<vmem>> -> memref<1x625xi32, #tpu.memory_space<vmem>>
        %dma_start3A_269 = tpu.memref_squeeze %dma_start3A_268 : memref<1x625xi32, #tpu.memory_space<vmem>> -> memref<625xi32, #tpu.memory_space<vmem>>
        %dma_start3A_270 = arith.constant 0 : i32
        %dma_start3A_271 = tpu.memref_slice %arg3[%dma_start3A_265, %arg1, %add3A_264, %dma_start3A_270] : memref<2x16x32x625xi32, #tpu.memory_space<hbm>> -> memref<1x1x1x625xi32, #tpu.memory_space<hbm>>
        %dma_start3A_272 = tpu.memref_squeeze %dma_start3A_271 : memref<1x1x1x625xi32, #tpu.memory_space<hbm>> -> memref<625xi32, #tpu.memory_space<hbm>>
        %dma_start3A_273 = arith.constant 0 : i32
        %dma_start3A_274 = tpu.memref_slice %arg7[%dma_start3A_266, %dma_start3A_273] : memref<4x625xi32, #tpu.memory_space<vmem>> -> memref<1x625xi32, #tpu.memory_space<vmem>>
        %dma_start3A_275 = tpu.memref_squeeze %dma_start3A_274 : memref<1x625xi32, #tpu.memory_space<vmem>> -> memref<625xi32, #tpu.memory_space<vmem>>
        %dma_start3A_276 = arith.constant 0 : i32
        %dma_start3A_277 = tpu.memref_slice %arg3[%dma_start3A_265, %arg1, %add3A_264, %dma_start3A_276] : memref<2x16x32x625xi32, #tpu.memory_space<hbm>> -> memref<1x1x1x625xi32, #tpu.memory_space<hbm>>
        %dma_start3A_278 = tpu.memref_squeeze %dma_start3A_277 : memref<1x1x1x625xi32, #tpu.memory_space<hbm>> -> memref<625xi32, #tpu.memory_space<hbm>>
        tpu.enqueue_dma source(%dma_start3A_278 : memref<625xi32, #tpu.memory_space<hbm>>) target(%dma_start3A_275 : memref<625xi32, #tpu.memory_space<vmem>>) target_semaphore(%arg13 : memref<!tpu.dma_semaphore, #tpu.memory_space<semaphore_mem>>)
      } else {
      }
    }
    %scan3A_79 = arith.constant 8 : i32
    %dma_wait3A = arith.constant 3 : i32
    %dma_wait3A_80 = arith.constant 0 : i32
    %dma_wait3A_81 = tpu.memref_slice %arg7[%dma_wait3A, %dma_wait3A_80] : memref<4x625xi32, #tpu.memory_space<vmem>> -> memref<1x625xi32, #tpu.memory_space<vmem>>
    %dma_wait3A_82 = tpu.memref_squeeze %dma_wait3A_81 : memref<1x625xi32, #tpu.memory_space<vmem>> -> memref<625xi32, #tpu.memory_space<vmem>>
    %dma_wait3A_83 = arith.constant 0 : i32
    %dma_wait3A_84 = arith.constant 0 : i32
    %dma_wait3A_85 = tpu.memref_slice %arg10[%dma_wait3A_83, %dma_wait3A_84] : memref<10240x64xf32, #tpu.memory_space<vmem_shared>> -> memref<10240x64xf32, #tpu.memory_space<vmem_shared>>
    tpu.wait_indirect_dma semaphore(%arg12 : memref<!tpu.dma_semaphore, #tpu.memory_space<semaphore_mem>>) src(%arg9 : memref<625x64xf32, #tpu.memory_space<vmem>>) dst(%dma_wait3A_85 : memref<10240x64xf32, #tpu.memory_space<vmem_shared>>)
    %barrier3A_86 = arith.constant 0 : index
    tpu.barrier barrier_id(%barrier3A_86)
    %mul3A_87 = arith.constant 640 : i32
    %mul3A_88 = arith.muli %arg1, %mul3A_87 : i32
    %mul3A_89 = arith.constant 640 : i32
    %mul3A_90 = arith.muli %arg1, %mul3A_89 : i32
    "tpu.region"() ({
      %run_scoped3A_91 = tpu.sem_alloc : memref<!tpu.dma_semaphore, #tpu.memory_space<semaphore_mem>>
      %dma_start3A_92 = arith.constant 0 : i32
      %dma_start3A_93 = tpu.memref_slice %arg5[%arg0, %mul3A_90, %dma_start3A_92] : memref<2x10240x64xf32, #tpu.memory_space<hbm>> -> memref<1x640x64xf32, #tpu.memory_space<hbm>>
      %dma_start3A_94 = tpu.memref_squeeze %dma_start3A_93 : memref<1x640x64xf32, #tpu.memory_space<hbm>> -> memref<640x64xf32, #tpu.memory_space<hbm>>
      %dma_start3A_95 = arith.constant 0 : i32
      %dma_start3A_96 = tpu.memref_slice %arg10[%mul3A_88, %dma_start3A_95] : memref<10240x64xf32, #tpu.memory_space<vmem_shared>> -> memref<640x64xf32, #tpu.memory_space<vmem_shared>>
      tpu.enqueue_dma source(%dma_start3A_96 : memref<640x64xf32, #tpu.memory_space<vmem_shared>>) target(%dma_start3A_94 : memref<640x64xf32, #tpu.memory_space<hbm>>) target_semaphore(%run_scoped3A_91 : memref<!tpu.dma_semaphore, #tpu.memory_space<semaphore_mem>>)
      %dma_wait3A_97 = arith.constant 0 : i32
      %dma_wait3A_98 = tpu.memref_slice %arg5[%arg0, %mul3A_90, %dma_wait3A_97] : memref<2x10240x64xf32, #tpu.memory_space<hbm>> -> memref<1x640x64xf32, #tpu.memory_space<hbm>>
      %dma_wait3A_99 = tpu.memref_squeeze %dma_wait3A_98 : memref<1x640x64xf32, #tpu.memory_space<hbm>> -> memref<640x64xf32, #tpu.memory_space<hbm>>
      %dma_wait3A_100 = arith.constant 0 : i32
      %dma_wait3A_101 = tpu.memref_slice %arg10[%mul3A_88, %dma_wait3A_100] : memref<10240x64xf32, #tpu.memory_space<vmem_shared>> -> memref<640x64xf32, #tpu.memory_space<vmem_shared>>
      tpu.wait_dma2 semaphore(%run_scoped3A_91 : memref<!tpu.dma_semaphore, #tpu.memory_space<semaphore_mem>>) src(%dma_wait3A_101 : memref<640x64xf32, #tpu.memory_space<vmem_shared>>) dst(%dma_wait3A_99 : memref<640x64xf32, #tpu.memory_space<hbm>>)
      tpu.yield
    }) : () -> ()
    return
  }
}

module attributes {stable_mosaic.version = 14 : i64} {
  func.func @_lin_body(%arg0: i32, %arg1: memref<2000x128xf32, #tpu.memory_space<vmem>>, %arg2: memref<128x128xf32, #tpu.memory_space<vmem>>, %arg3: memref<1x128xf32, #tpu.memory_space<vmem>>, %arg4: memref<2x2000x8xf32, #tpu.memory_space<vmem>>, %arg5: memref<2x2000x64xf32, #tpu.memory_space<vmem>>, %arg6: memref<2000x1xf32, #tpu.memory_space<vmem>>) attributes {dimension_semantics = [#tpu.dimension_semantics<arbitrary>], iteration_bounds = array<i64: 5>, scalar_prefetch = 0 : i64, scratch_operands = 0 : i64, tpu.core_type = #tpu.core_type<tc>, window_params = [{transform_indices = @transform_0, window_bounds = array<i64: 2000, 128>}, {pipeline_mode = #tpu.pipeline_mode<synchronous>, transform_indices = @transform_1, window_bounds = array<i64: 128, 128>}, {pipeline_mode = #tpu.pipeline_mode<synchronous>, transform_indices = @transform_2, window_bounds = array<i64: 1, 128>}, {transform_indices = @transform_3, window_bounds = array<i64: 2, 2000, 8>}, {transform_indices = @transform_4, window_bounds = array<i64: 2, 2000, 64>}, {transform_indices = @transform_5, window_bounds = array<i64: 2000, 1>}]} {
    %get3A = arith.constant 0 : index
    %get3A_0 = arith.constant 0 : index
    %get3A_1 = vector.load %arg1[%get3A, %get3A_0] : memref<2000x128xf32, #tpu.memory_space<vmem>>, vector<2000x128xf32>
    %get3A_2 = arith.constant 0 : index
    %get3A_3 = arith.constant 0 : index
    %get3A_4 = vector.load %arg2[%get3A_2, %get3A_3] : memref<128x128xf32, #tpu.memory_space<vmem>>, vector<128x128xf32>
    %dot_general3A = arith.constant dense<0.000000e+00> : vector<2000x128xf32>
    %dot_general3A_5 = tpu.matmul %get3A_1, %get3A_4, %dot_general3A {dimension_numbers = #tpu.dot_dimension_numbers<[1], [1], [0], [0], [0, 0, 1, 0], [], []>, transpose_lhs_hint = false} : vector<2000x128xf32>, vector<128x128xf32>, vector<2000x128xf32> -> vector<2000x128xf32>
    %get3A_6 = arith.constant 0 : index
    %get3A_7 = arith.constant 0 : index
    %get3A_8 = vector.load %arg3[%get3A_6, %get3A_7] : memref<1x128xf32, #tpu.memory_space<vmem>>, vector<1x128xf32>
    %add3A = vector.broadcast %get3A_8 : vector<1x128xf32> to vector<2000x128xf32>
    %add3A_9 = arith.addf %dot_general3A_5, %add3A : vector<2000x128xf32>
    %get3A_10 = arith.constant 0 : index
    %get3A_11 = arith.constant 0 : index
    %get3A_12 = arith.constant 0 : index
    %get3A_13 = vector.load %arg4[%get3A_10, %get3A_11, %get3A_12] : memref<2x2000x8xf32, #tpu.memory_space<vmem>>, vector<1x2000x1xf32>
    %get3A_14 = vector.shape_cast %get3A_13 : vector<1x2000x1xf32> to vector<2000xf32>
    %get3A_15 = arith.constant 1 : index
    %get3A_16 = arith.constant 0 : index
    %get3A_17 = arith.constant 0 : index
    %get3A_18 = vector.load %arg4[%get3A_15, %get3A_16, %get3A_17] : memref<2x2000x8xf32, #tpu.memory_space<vmem>>, vector<1x2000x1xf32>
    %get3A_19 = vector.shape_cast %get3A_18 : vector<1x2000x1xf32> to vector<2000xf32>
    %add3A_20 = arith.addf %get3A_14, %get3A_19 : vector<2000xf32>
    %add3A_21 = arith.constant 1.000000e+00 : f32
    %add3A_22 = vector.broadcast %add3A_21 : f32 to vector<2000xf32>
    %add3A_23 = arith.addf %add3A_20, %add3A_22 : vector<2000xf32>
    %rsqrt3A = math.rsqrt %add3A_23 : vector<2000xf32>
    %broadcast_in_dim3A = vector.shape_cast %rsqrt3A : vector<2000xf32> to vector<2000x1xf32>
    %mul3A = vector.broadcast %broadcast_in_dim3A : vector<2000x1xf32> to vector<2000x128xf32>
    %mul3A_24 = arith.mulf %mul3A, %add3A_9 : vector<2000x128xf32>
    %slice3A = vector.extract_strided_slice %mul3A_24 {offsets = [0, 0], sizes = [2000, 64], strides = [1, 1]} : vector<2000x128xf32> to vector<2000x64xf32>
    %swap3A = arith.constant 0 : index
    %swap3A_25 = arith.constant 0 : index
    %swap3A_26 = arith.constant 0 : index
    %swap3A_27 = vector.load %arg5[%swap3A, %swap3A_25, %swap3A_26] : memref<2x2000x64xf32, #tpu.memory_space<vmem>>, vector<1x2000x64xf32>
    %swap3A_28 = vector.shape_cast %swap3A_27 : vector<1x2000x64xf32> to vector<2000x64xf32>
    %swap3A_29 = vector.shape_cast %slice3A : vector<2000x64xf32> to vector<1x2000x64xf32>
    tpu.vector_store %arg5[%swap3A, %swap3A_25, %swap3A_26], %swap3A_29 {strides = array<i32>} : memref<2x2000x64xf32, #tpu.memory_space<vmem>>, vector<1x2000x64xf32>,
    %slice3A_30 = vector.extract_strided_slice %mul3A_24 {offsets = [0, 64], sizes = [2000, 64], strides = [1, 1]} : vector<2000x128xf32> to vector<2000x64xf32>
    %swap3A_31 = arith.constant 1 : index
    %swap3A_32 = arith.constant 0 : index
    %swap3A_33 = arith.constant 0 : index
    %swap3A_34 = vector.load %arg5[%swap3A_31, %swap3A_32, %swap3A_33] : memref<2x2000x64xf32, #tpu.memory_space<vmem>>, vector<1x2000x64xf32>
    %swap3A_35 = vector.shape_cast %swap3A_34 : vector<1x2000x64xf32> to vector<2000x64xf32>
    %swap3A_36 = vector.shape_cast %slice3A_30 : vector<2000x64xf32> to vector<1x2000x64xf32>
    tpu.vector_store %arg5[%swap3A_31, %swap3A_32, %swap3A_33], %swap3A_36 {strides = array<i32>} : memref<2x2000x64xf32, #tpu.memory_space<vmem>>, vector<1x2000x64xf32>,
    %swap3A_37 = arith.constant 0 : index
    %swap3A_38 = arith.constant 0 : index
    %swap3A_39 = vector.load %arg6[%swap3A_37, %swap3A_38] : memref<2000x1xf32, #tpu.memory_space<vmem>>, vector<2000x1xf32>
    tpu.vector_store %arg6[%swap3A_37, %swap3A_38], %broadcast_in_dim3A {strides = array<i32>} : memref<2000x1xf32, #tpu.memory_space<vmem>>, vector<2000x1xf32>,
    return
  }
  func.func @transform_0(%arg0: i32) -> (i32, i32) {
    %c0_i32 = arith.constant 0 : i32
    %c0_i32_0 = arith.constant 0 : i32
    return %arg0, %c0_i32 : i32, i32
  }
  func.func @transform_1(%arg0: i32) -> (i32, i32) {
    %c0_i32 = arith.constant 0 : i32
    %c0_i32_0 = arith.constant 0 : i32
    %c0_i32_1 = arith.constant 0 : i32
    return %c0_i32, %c0_i32_0 : i32, i32
  }
  func.func @transform_2(%arg0: i32) -> (i32, i32) {
    %c0_i32 = arith.constant 0 : i32
    %c0_i32_0 = arith.constant 0 : i32
    %c0_i32_1 = arith.constant 0 : i32
    return %c0_i32, %c0_i32_0 : i32, i32
  }
  func.func @transform_3(%arg0: i32) -> (i32, i32, i32) {
    %c0_i32 = arith.constant 0 : i32
    %c0_i32_0 = arith.constant 0 : i32
    %c0_i32_1 = arith.constant 0 : i32
    return %c0_i32, %arg0, %c0_i32_0 : i32, i32, i32
  }
  func.func @transform_4(%arg0: i32) -> (i32, i32, i32) {
    %c0_i32 = arith.constant 0 : i32
    %c0_i32_0 = arith.constant 0 : i32
    %c0_i32_1 = arith.constant 0 : i32
    return %c0_i32, %arg0, %c0_i32_0 : i32, i32, i32
  }
  func.func @transform_5(%arg0: i32) -> (i32, i32) {
    %c0_i32 = arith.constant 0 : i32
    %c0_i32_0 = arith.constant 0 : i32
    return %arg0, %c0_i32 : i32, i32
  }
}

module attributes {stable_mosaic.version = 14 : i64} {
  func.func @_bn_body(%arg0: memref<2x10240x64xf32, #tpu.memory_space<vmem>>, %arg1: memref<2x10000x64xf32, #tpu.memory_space<vmem>>, %arg2: memref<10000x1xf32, #tpu.memory_space<vmem>>, %arg3: memref<1x128xf32, #tpu.memory_space<vmem>>, %arg4: memref<1x128xf32, #tpu.memory_space<vmem>>, %arg5: memref<10000x128xf32, #tpu.memory_space<vmem>>) attributes {dimension_semantics = [], scalar_prefetch = 0 : i64, scratch_operands = 0 : i64, tpu.core_type = #tpu.core_type<tc>} {
    %get3A = arith.constant 0 : index
    %get3A_0 = arith.constant 0 : index
    %get3A_1 = arith.constant 0 : index
    %get3A_2 = vector.load %arg0[%get3A, %get3A_0, %get3A_1] : memref<2x10240x64xf32, #tpu.memory_space<vmem>>, vector<1x10000x64xf32>
    %get3A_3 = vector.shape_cast %get3A_2 : vector<1x10000x64xf32> to vector<10000x64xf32>
    %get3A_4 = arith.constant 0 : index
    %get3A_5 = arith.constant 0 : index
    %get3A_6 = arith.constant 0 : index
    %get3A_7 = vector.load %arg1[%get3A_4, %get3A_5, %get3A_6] : memref<2x10000x64xf32, #tpu.memory_space<vmem>>, vector<1x10000x64xf32>
    %get3A_8 = vector.shape_cast %get3A_7 : vector<1x10000x64xf32> to vector<10000x64xf32>
    %add3A = arith.addf %get3A_3, %get3A_8 : vector<10000x64xf32>
    %get3A_9 = arith.constant 1 : index
    %get3A_10 = arith.constant 0 : index
    %get3A_11 = arith.constant 0 : index
    %get3A_12 = vector.load %arg0[%get3A_9, %get3A_10, %get3A_11] : memref<2x10240x64xf32, #tpu.memory_space<vmem>>, vector<1x10000x64xf32>
    %get3A_13 = vector.shape_cast %get3A_12 : vector<1x10000x64xf32> to vector<10000x64xf32>
    %get3A_14 = arith.constant 1 : index
    %get3A_15 = arith.constant 0 : index
    %get3A_16 = arith.constant 0 : index
    %get3A_17 = vector.load %arg1[%get3A_14, %get3A_15, %get3A_16] : memref<2x10000x64xf32, #tpu.memory_space<vmem>>, vector<1x10000x64xf32>
    %get3A_18 = vector.shape_cast %get3A_17 : vector<1x10000x64xf32> to vector<10000x64xf32>
    %add3A_19 = arith.addf %get3A_13, %get3A_18 : vector<10000x64xf32>
    %concatenate3A = tpu.concatenate %add3A, %add3A_19 in 1 : vector<10000x64xf32>, vector<10000x64xf32> -> vector<10000x128xf32>
    %get3A_20 = arith.constant 0 : index
    %get3A_21 = arith.constant 0 : index
    %get3A_22 = vector.load %arg2[%get3A_20, %get3A_21] : memref<10000x1xf32, #tpu.memory_space<vmem>>, vector<10000x1xf32>
    %mul3A = vector.broadcast %get3A_22 : vector<10000x1xf32> to vector<10000x128xf32>
    %mul3A_23 = arith.mulf %concatenate3A, %mul3A : vector<10000x128xf32>
    %reduce_sum3A = arith.constant dense<0.000000e+00> : vector<128xf32>
    %reduce_sum3A_24 = vector.multi_reduction <add>, %mul3A_23, %reduce_sum3A [0] : vector<10000x128xf32> to vector<128xf32>
    %broadcast_in_dim3A = vector.shape_cast %reduce_sum3A_24 : vector<128xf32> to vector<1x128xf32>
    %div3A = arith.constant 1.000000e+04 : f32
    %div3A_25 = vector.broadcast %div3A : f32 to vector<1x128xf32>
    %div3A_26 = arith.divf %broadcast_in_dim3A, %div3A_25 : vector<1x128xf32>
    %sub3A = vector.broadcast %div3A_26 : vector<1x128xf32> to vector<10000x128xf32>
    %sub3A_27 = arith.subf %mul3A_23, %sub3A : vector<10000x128xf32>
    %mul3A_28 = arith.mulf %sub3A_27, %sub3A_27 : vector<10000x128xf32>
    %reduce_sum3A_29 = arith.constant dense<0.000000e+00> : vector<128xf32>
    %reduce_sum3A_30 = vector.multi_reduction <add>, %mul3A_28, %reduce_sum3A_29 [0] : vector<10000x128xf32> to vector<128xf32>
    %broadcast_in_dim3A_31 = vector.shape_cast %reduce_sum3A_30 : vector<128xf32> to vector<1x128xf32>
    %div3A_32 = arith.constant 1.000000e+04 : f32
    %div3A_33 = vector.broadcast %div3A_32 : f32 to vector<1x128xf32>
    %div3A_34 = arith.divf %broadcast_in_dim3A_31, %div3A_33 : vector<1x128xf32>
    %add3A_35 = arith.constant 9.99999974E-6 : f32
    %add3A_36 = vector.broadcast %add3A_35 : f32 to vector<1x128xf32>
    %add3A_37 = arith.addf %div3A_34, %add3A_36 : vector<1x128xf32>
    %rsqrt3A = math.rsqrt %add3A_37 : vector<1x128xf32>
    %mul3A_38 = vector.broadcast %rsqrt3A : vector<1x128xf32> to vector<10000x128xf32>
    %mul3A_39 = arith.mulf %sub3A_27, %mul3A_38 : vector<10000x128xf32>
    %get3A_40 = arith.constant 0 : index
    %get3A_41 = arith.constant 0 : index
    %get3A_42 = vector.load %arg3[%get3A_40, %get3A_41] : memref<1x128xf32, #tpu.memory_space<vmem>>, vector<1x128xf32>
    %mul3A_43 = vector.broadcast %get3A_42 : vector<1x128xf32> to vector<10000x128xf32>
    %mul3A_44 = arith.mulf %mul3A_39, %mul3A_43 : vector<10000x128xf32>
    %get3A_45 = arith.constant 0 : index
    %get3A_46 = arith.constant 0 : index
    %get3A_47 = vector.load %arg4[%get3A_45, %get3A_46] : memref<1x128xf32, #tpu.memory_space<vmem>>, vector<1x128xf32>
    %add3A_48 = vector.broadcast %get3A_47 : vector<1x128xf32> to vector<10000x128xf32>
    %add3A_49 = arith.addf %mul3A_44, %add3A_48 : vector<10000x128xf32>
    %max3A = arith.constant 0.000000e+00 : f32
    %max3A_50 = vector.broadcast %max3A : f32 to vector<10000x128xf32>
    %max3A_51 = arith.maximumf %add3A_49, %max3A_50 : vector<10000x128xf32>
    %swap3A = arith.constant 0 : index
    %swap3A_52 = arith.constant 0 : index
    %swap3A_53 = vector.load %arg5[%swap3A, %swap3A_52] : memref<10000x128xf32, #tpu.memory_space<vmem>>, vector<10000x128xf32>
    tpu.vector_store %arg5[%swap3A, %swap3A_52], %max3A_51 {strides = array<i32>} : memref<10000x128xf32, #tpu.memory_space<vmem>>, vector<10000x128xf32>,
    return
  }
}

</mosaic_0001>

<sc_bundles>
// kernel: kernel.6.cloned.1.call-start
scs
__scs_entry_jumppad:
0x0: {  	(pc) =	sbr.rel $0x88, $3  }
0x1: {  	(tag) =	ssettag $0x0;
	lr =	simm.s32 $0x1  }
0x2: {  	[smem:$0x3F9B] =	sst lr;
	_ =	strace $0xD0000000  }
0x3: {  	_ = 	snop  }
0x4: {  	_ = 	snop  }
0x5: {  	_ = 	snop  }
0x6: {  	_ = 	snop  }
0x7: {  	_ = 	snop  }
__scs_overlays_trampoline_lowered:
0x8: {  	[smem:$0x3FAA] =	sst s0  }
0x9: {  	[smem:$0x3FAB] =	sst s1  }
0xa: {  	[smem:$0x3FAC] =	sst s2  }
0xb: {  	[smem:$0x3FAD] =	sst s3  }
0xc: {  	[smem:$0x3FAE] =	sst s4  }
0xd: {  	[smem:$0x3FAF] =	sst s5  }
0xe: {  	[smem:$0x3FB0] =	sst s6  }
0xf: {  	[smem:$0x3FB1] =	sst s7  }
0x10: {  	[smem:$0x3FB2] =	sst s8  }
0x11: {  	[smem:$0x3FB3] =	sst s9;
	s0 =	simm.s32 @!p0 $0x0  }
0x12: {  	s1 =	sld [smem:$0x3F99];
	s0 =	simm.s32 @p0 $0x1  }
0x13: {  	[smem:$0x3FB4] =	sst s0;
	s0 =	simm.s32 @!p1 $0x0  }
0x14: {  	s2 =	sld [smem:$0x3F98];
	s0 =	simm.s32 @p1 $0x1  }
0x15: {  	[smem:$0x3FB5] =	sst s0;
	s0 =	simm.s32 @!p2 $0x0  }
0x16: {  	s3 =	sld [smem:$0x3FDB];
	s0 =	simm.s32 @p2 $0x1  }
0x17: {  	s4 =	simm.s32 $0x1BF5;
	[smem:$0x3FB7] =	sst s0  }
0x18: {  	s0 =	sld [smem:$0x3F9A];
	_ =	swait.ge [sflag:s4], $0x0  }
0x19: {  	s7 =	sld [smem:$0x3F9B]  }
0x1a: {  	s8 =	sadd.s32 $0xFFFFE003, lr  }
0x1b: {  	s9 =	sadd.s32 $0xFFFFFEF7, lr;
	s5 =	simm.s32 $0xFFFFFFFF;
	p2 =	slt.u32 s8, $0xFFFFF086  }
0x1c: {  	p1 =	slt.u32 s9, $0xF7A;
	s5 =	simm.s32 @!p2 $0x0  }
0x1d: {  	s5 =	simm.s32 @p1 $0x1;
	p0 =	seq.s32 s7, s2  }
0x1e: {  	s7 =	smul.u32 @!p0 $0xF7A, s2;
	p2 =	seq.s32 @!p0 s5, $0x0  }
0x1f: {  	s9 =	smul.u32 $0xF7A, s1;
	s8 =	simm.s32 @!p0 $0x1BF5;
	p2 =	por !p2, p0  }
0x20: {  	[sflag:s8] =	ssyncset.s32 @!p0 $0xFFFFF086;
	s6 =	sadd.s32 @!p0 s3, s7;
	s7 =	simm.s32 @!p0 $0x108  }
0x21: {  	s3 =	sadd.s32 s3, s9;
	s6 =	sadd.s32 @!p0 $0x88, s6;
	s7 =	simm.s32 @p2 $0x1082  }
0x22: {  	[simem:s7], [sflag:s8] =	dma.local @!p0 [hbm:s6], $0xF7A  }
0x23: {  	s9 =	sor.u32 $0xD0000000, s2;
	s6 =	simm.s32 $0x108;
	_ =	swait.ge @!p0 [sflag:s8], $0x0  }
0x24: {  	s3 =	sadd.s32 $0x88, s3;
	s6 =	simm.s32 @!p1 $0x1082;
	[sflag:s4] =	ssyncset.s32 $0xFFFFF086  }
0x25: {  	[simem:s6], [sflag:s4] =	dma.local [hbm:s3], $0xF7A  }
0x26: {  	[smem:$0x3F9B] =	sst s1;
	(tag) =	ssettag s2;
	_ =	strace s9  }
0x27: {  	s1 =	sld [smem:$0x3FAB]  }
0x28: {  	s2 =	sld [smem:$0x3FAC]  }
0x29: {  	s4 =	sld [smem:$0x3FAE]  }
0x2a: {  	p0 =	seq.s32 s5, $0x0;
	s5 =	sld [smem:$0x3FAF]  }
0x2b: {  	s6 =	sld [smem:$0x3FB0]  }
0x2c: {  	s7 =	sld [smem:$0x3FB1]  }
0x2d: {  	s3 =	simm.s32 $0x108;
	s8 =	sld [smem:$0x3FB2]  }
0x2e: {  	s3 =	simm.s32 @!p0 $0x1082;
	s9 =	sld [smem:$0x3FB3]  }
0x2f: {  	lr =	sadd.s32 s0, s3;
	s0 =	sld [smem:$0x3FAA]  }
0x30: {  	s3 =	sld [smem:$0x3FAD]  }
0x31: {  	[smem:$0x3FB6] =	sst s10  }
0x32: {  	s10 =	sld [smem:$0x3FB4];
	_ =	sdelay $0x3  }
0x33: {  	p0 =	seq.s32 s10, $0x1;
	s10 =	sld [smem:$0x3FB6];
	_ =	sdelay $0x3  }
0x34: {  	[smem:$0x3FB6] =	sst s10  }
0x35: {  	s10 =	sld [smem:$0x3FB5];
	_ =	sdelay $0x3  }
0x36: {  	p1 =	seq.s32 s10, $0x1;
	s10 =	sld [smem:$0x3FB6];
	_ =	sdelay $0x3  }
0x37: {  	[smem:$0x3FB6] =	sst s10  }
0x38: {  	s10 =	sld [smem:$0x3FB7]  }
0x39: {  	_ = 	snop;
	(pc) =	sbr.ind lr, $3  }
0x3a: {  	_ = 	snop  }
0x3b: {  	_ = 	snop  }
0x3c: {  	p2 =	seq.s32 s10, $0x1;
	s10 =	sld [smem:$0x3FB6]  }
0x3d: {  	_ =	shalt  }
0x3e: {  	_ =	shalt  }
0x3f: {  	_ =	shalt  }
0x40: {  	_ =	shalt  }
0x41: {  	_ =	shalt  }
0x42: {  	_ =	shalt  }
0x43: {  	_ =	shalt  }
0x44: {  	_ =	shalt  }
0x45: {  	_ =	shalt  }
0x46: {  	_ =	shalt  }
0x47: {  	_ =	shalt  }
0x48: {  	_ =	shalt  }
0x49: {  	_ =	shalt  }
0x4a: {  	_ =	shalt  }
0x4b: {  	_ =	shalt  }
0x4c: {  	_ =	shalt  }
0x4d: {  	_ =	shalt  }
0x4e: {  	_ =	shalt  }
0x4f: {  	_ =	shalt  }
0x50: {  	_ =	shalt  }
0x51: {  	_ =	shalt  }
0x52: {  	_ =	shalt  }
0x53: {  	_ =	shalt  }
0x54: {  	_ =	shalt  }
0x55: {  	_ =	shalt  }
0x56: {  	_ =	shalt  }
0x57: {  	_ =	shalt  }
0x58: {  	_ =	shalt  }
0x59: {  	_ =	shalt  }
0x5a: {  	_ =	shalt  }
0x5b: {  	_ =	shalt  }
0x5c: {  	_ =	shalt  }
0x5d: {  	_ =	shalt  }
0x5e: {  	_ =	shalt  }
0x5f: {  	_ =	shalt  }
0x60: {  	_ =	shalt  }
0x61: {  	_ =	shalt  }
0x62: {  	_ =	shalt  }
0x63: {  	_ =	shalt  }
0x64: {  	_ =	shalt  }
0x65: {  	_ =	shalt  }
0x66: {  	_ =	shalt  }
0x67: {  	_ =	shalt  }
0x68: {  	_ =	shalt  }
0x69: {  	_ =	shalt  }
0x6a: {  	_ =	shalt  }
0x6b: {  	_ =	shalt  }
0x6c: {  	_ =	shalt  }
0x6d: {  	_ =	shalt  }
0x6e: {  	_ =	shalt  }
0x6f: {  	_ =	shalt  }
0x70: {  	_ =	shalt  }
0x71: {  	_ =	shalt  }
0x72: {  	_ =	shalt  }
0x73: {  	_ =	shalt  }
0x74: {  	_ =	shalt  }
0x75: {  	_ =	shalt  }
0x76: {  	_ =	shalt  }
0x77: {  	_ =	shalt  }
0x78: {  	_ =	shalt  }
0x79: {  	_ =	shalt  }
0x7a: {  	_ =	shalt  }
0x7b: {  	_ =	shalt  }
0x7c: {  	_ =	shalt  }
0x7d: {  	_ =	shalt  }
0x7e: {  	_ =	shalt  }
0x7f: {  	_ =	shalt  }
0x80: {  	_ =	shalt  }
0x81: {  	_ =	shalt  }
0x82: {  	_ =	shalt  }
0x83: {  	_ =	shalt  }
0x84: {  	_ =	shalt  }
0x85: {  	_ =	shalt  }
0x86: {  	_ =	shalt  }
0x87: {  	_ =	shalt  }
.Lfunc_end0:
.L_simem_size_0:
called_computation_lowered:
.L_overlay_start_0:
0x88: {  	s2 =	sld [smem:$0x3FD9]  }
0x89: {  	s3 =	sld [smem:$0x3FFE];
	_ =	sdelay $0x1  }
0x8a: {  	s1 =	srdreg.scid  }
0x8b: {  	s0 =	sand.u32 $0x1, s1  }
0x8c: {  	s17 =	sshll.u32 s0, $0xA;
	s2 =	sadd.s32 s3, s2  }
0x8d: {  	s2 =	sadd.s32 s2, s17  }
0x8e: {  	[smem:$0x3FC2] =	sst s2  }
0x8f: {  	_ = 	snop  }
0x90: {  	s2 =	sld [smem:$0x3FD0];
	(tm) =	ssettm $0x1  }
0x91: {  	s18 =	sld [smem:$0x3FFB];
	_ =	sdelay $0x3  }
0x92: {  	_ =	strace s18  }
0x93: {  	s3 =	sld [smem:$0x3FFC];
	_ =	sdelay $0x3  }
0x94: {  	_ =	strace s3  }
0x95: {  	s3 =	sld [smem:$0x3FFD];
	_ =	sdelay $0x3  }
0x96: {  	_ =	strace s3  }
0x97: {  	_ =	strace $0x8FFFFFFF  }
0x98: {  	s19 =	sld [smem:$0x3FDB];
	_ =	sdelay $0x1  }
0x99: {  	s4 =	simm.s32 $_scs_section_size  }
0x9a: {  	s5 =	simm.s32 $_size__tile_overlayer_lowered;
	s6 =	simm.s32 $_tile_overlayer_lowered  }
0x9b: {  	s22 =	simm.s32 $0x1BFF;
	s21 =	sshll.u32 s6, $0x1;
	s3 =	sadd.s32 s4, s19  }
0x9c: {  	s7 =	simm.s32 $0x0;
	s20 =	sshll.u32 s5, $0x1;
	s5 =	sadd.s32 s21, s3  }
0x9d: {  	[timem:s7], [sflag:s22] =	dma.local [hbm:s5], s20  }
0x9e: {  	_ =	swait.ge [sflag:s22], s20  }
0x9f: {  	s4 =	ssub.s32 $0x0, s20;
	[sflag:s22] =	ssyncset.done $0x0  }
0xa0: {  	[sflag:s22] =	ssyncadd.s32 s4;
	_ =	sdelay $0x1  }
0xa1: {  	s23 =	simm.s32 $0x1B8B  }
0xa2: {  	_ =	swait.ge [sflag:s23], $0x1  }
0xa3: {  	[sflag:s23] =	ssyncset.done $0x0  }
0xa4: {  	s25 =	simm.s32 $0x1B8E;
	s24 =	sld [smem:$0x3FFE];
	[sflag:s23] =	ssyncadd.s32 $0xFFFFFFFF  }
0xa5: {  	s26 =	simm.s32 $execute0_lowered;
	[smem:$0x3FD2] =	sst s25  }
0xa6: {  	s5 =	sshll.u32 s26, $0x1;
	_ =	strace $0x80000046;
	[dreg:$0x1] =	wrdreg $0xFFFFFFFF  }
0xa7: {  	s28 =	simm.s32 $_size_execute0_lowered;
	s3 =	sadd.s32 s3, s5;
	[dreg:$0x0] =	wrdreg $0x0  }
0xa8: {  	s5 =	sshll.u32 s28, $0x1;
	[dreg:$0x2] =	wrdreg s3  }
0xa9: {  	[dreg:$0x3] =	wrdreg s5  }
0xaa: {  	[dreg:$0x4] =	wrdreg $0xC0  }
0xab: {  	_ =	task [dreg:s7], $0x5FFFF  }
0xac: {  	[dreg:$0x1] =	wrdreg $0xFFFFFFFF  }
0xad: {  	[dreg:$0x0] =	wrdreg $0x60  }
0xae: {  	[dreg:$0x2] =	wrdreg s24  }
0xaf: {  	[dreg:$0x3] =	wrdreg s2  }
0xb0: {  	[dreg:$0x4] =	wrdreg $0x4E900  }
0xb1: {  	[dreg:$0x5] =	wrdreg $0x9  }
0xb2: {  	_ =	task.clear_ibuf [dreg:s7], $0x6FFFF;
	_ =	strace $0x90000046  }
0xb3: {  	s29 =	simm.s32 $0x9;
	_ =	strace $0x80000048  }
0xb4: {  	_ =	swait.ge [sflag:s29], $0x1  }
0xb5: {  	[sflag:s29] =	ssyncadd.s32 $0xFFFFFFFF  }
0xb6: {  	_ =	strace $0x90000048  }
0xb7: {  	_ =	sfence  }
0xb8: {  	s30 =	sld [smem:$0x0];
	_ =	sdelay $0x2  }
0xb9: {  	s31 =	sshll.u32 s1, $0xD;
	s1 =	sshrl.u32 s1, $0x2  }
0xba: {  	s3 =	sand.u32 $0x4000, s31;
	s1 =	sadd.s32 s1, s30  }
0xbb: {  	s0 =	sor.u32 s3, s0;
	s1 =	sshll.u32 s1, $0x11  }
0xbc: {  	s0 =	sor.u32 s1, s0  }
0xbd: {  	s0 =	sadd.s32 $0x8F2B, s0  }
0xbe: {  	[sflag:s0] =	ssyncadd.remote.s32 $0x1  }
0xbf: {  	_ =	sfence.sel $0xFFFF  }
0xc0: {  	[dreg:$0x0] =	wrdreg $0xFFFFFFFF;
	(pc) =	sbr.abs _section_cstart, $3  }
0xc1: {  	[dreg:$0x1] =	wrdreg $0xFFFFFFFF  }
0xc2: {  	_ =	task.clear_ibuf [dreg:s7], $0x2FFFF;
	_ =	strace $0x9FFFFFFF  }
0xc3: {  	(tm) =	ssettm $0x7FFFFFFF  }
tec
execute0_lowered:
.L_overlay_start_1:
0x0: {  	(tag) =	ssettag $0x1  }
0x1: {  	s1 =	srdreg.scid;
	s0 =	stileid.u32  }
0x2: {  	s30 =	sand.u32 $0x1, s1;
	s25 =	smul.u32 $0x4F00, s0  }
0x3: {  	s3 =	smul.u32 $0x2780, s30  }
0x4: {  	s8 =	rddreg [dreg:$0x0]  }
0x5: {  	s29 =	rddreg [dreg:$0x1];
	s4 =	sadd.s32 s3, s25  }
0x6: {  	s2 =	rddreg [dreg:$0x2];
	s3 =	simm.s32 $0x0;
	s4 =	sshrl.u32 s4, $0x3  }
0x7: {  	[smem:$0x7FF] =	sst s3;
	s4 =	sadd.s32 s4, s8  }
0x8: {  	_ =	strace $0x80000047;
	s5 =	sadd.s32 $0x1A00, s4;
	s4 =	simm.s32 $0x2  }
0x9: {  	[tilespmem:s3], [sflag:$0x2] =	stream.linear.gather [hbm4b:s5+s3], $0x2780, $0x38;
	[tilespmem:$0x7690] =	vst v63  }
0xa: {  	_ =	swait.ge [sflag:s4], $0x2780  }
0xb: {  	s7 =	simm.s32 $0x2780;
	[sflag:s4] =	ssyncset.done $0x0  }
0xc: {  	s6 =	sadd.s32 $0x15C00, s8;
	s9 =	smul.u32 $0xA000, s0;
	[sflag:s4] =	ssyncadd.s32 $0xFFFFD880  }
0xd: {  	[tilespmem:s7], [sflag:$0x2] =	stream.linear.gather [hbm4b:s6+s3], $0x2710, $0x38;
	[tilespmem:$0x7690] =	vst v63  }
0xe: {  	s26 =	sshll.u32 s0, $0x6;
	s9 =	sshrl.u32 s9, $0x2;
	_ =	swait.ge [sflag:s4], $0x2710  }
0xf: {  	s10 =	sadd.s32 s9, s2;
	s9 =	sor.u32 $0x1C02, s26;
	[sflag:s4] =	ssyncset.done $0x0  }
0x10: {  	s10 =	sshrl.u32 s10, $0x3;
	s8 =	sadd.s32 $0x15600, s8;
	[sflag:s4] =	ssyncadd.s32 $0xFFFFD8F0  }
0x11: {  	[spmem:s10], [sflag:s9] =	dma.local [hbm:s8], $0x500  }
0x12: {  	_ =	swait.ge [sflag:s4], $0x500  }
0x13: {  	[sflag:s4] =	ssyncset.done $0x0  }
0x14: {  	[sflag:s4] =	ssyncadd.s32 $0xFFFFFB00  }
0x15: {  	s11 =	simm.s32 $0x271;
	[bflag:$0x0] =	sbarrier.arrive $0xFFFF  }
0x16: {  	[spmem:s2] =	stream.indirect.scatter.add.f32 [tilespmem:s7], [sflag:$0x1], $0x10, s3, s11, $0xb8;
	[tilespmem:$0x7690] =	vst v63  }
0x17: {  	s12 =	simm.s32 $0x278  }
0x18: {  	[spmem:s2] =	stream.indirect.scatter.add.f32 [tilespmem:s7], [sflag:$0x1], $0x10, s12, s11, $0xb8;
	[tilespmem:$0x7690] =	vst v63  }
0x19: {  	s13 =	simm.s32 $0x4F0  }
0x1a: {  	[spmem:s2] =	stream.indirect.scatter.add.f32 [tilespmem:s7], [sflag:$0x1], $0x10, s13, s11, $0xb8;
	[tilespmem:$0x7690] =	vst v63  }
0x1b: {  	s14 =	simm.s32 $0x768  }
0x1c: {  	[spmem:s2] =	stream.indirect.scatter.add.f32 [tilespmem:s7], [sflag:$0x1], $0x10, s14, s11, $0xb8;
	[tilespmem:$0x7690] =	vst v63  }
0x1d: {  	s15 =	simm.s32 $0x9E0  }
0x1e: {  	[spmem:s2] =	stream.indirect.scatter.add.f32 [tilespmem:s7], [sflag:$0x1], $0x10, s15, s11, $0xb8;
	[tilespmem:$0x7690] =	vst v63  }
0x1f: {  	s16 =	simm.s32 $0xC58  }
0x20: {  	[spmem:s2] =	stream.indirect.scatter.add.f32 [tilespmem:s7], [sflag:$0x1], $0x10, s16, s11, $0xb8;
	[tilespmem:$0x7690] =	vst v63  }
0x21: {  	s17 =	simm.s32 $0xED0  }
0x22: {  	[spmem:s2] =	stream.indirect.scatter.add.f32 [tilespmem:s7], [sflag:$0x1], $0x10, s17, s11, $0xb8;
	[tilespmem:$0x7690] =	vst v63  }
0x23: {  	s18 =	simm.s32 $0x1148  }
0x24: {  	[spmem:s2] =	stream.indirect.scatter.add.f32 [tilespmem:s7], [sflag:$0x1], $0x10, s18, s11, $0xb8;
	[tilespmem:$0x7690] =	vst v63  }
0x25: {  	s19 =	simm.s32 $0x13C0  }
0x26: {  	[spmem:s2] =	stream.indirect.scatter.add.f32 [tilespmem:s7], [sflag:$0x1], $0x10, s19, s11, $0xb8;
	[tilespmem:$0x7690] =	vst v63  }
0x27: {  	s20 =	simm.s32 $0x1638  }
0x28: {  	[spmem:s2] =	stream.indirect.scatter.add.f32 [tilespmem:s7], [sflag:$0x1], $0x10, s20, s11, $0xb8;
	[tilespmem:$0x7690] =	vst v63  }
0x29: {  	s21 =	simm.s32 $0x18B0  }
0x2a: {  	[spmem:s2] =	stream.indirect.scatter.add.f32 [tilespmem:s7], [sflag:$0x1], $0x10, s21, s11, $0xb8;
	[tilespmem:$0x7690] =	vst v63  }
0x2b: {  	s22 =	simm.s32 $0x1B28  }
0x2c: {  	[spmem:s2] =	stream.indirect.scatter.add.f32 [tilespmem:s7], [sflag:$0x1], $0x10, s22, s11, $0xb8;
	[tilespmem:$0x7690] =	vst v63  }
0x2d: {  	s23 =	simm.s32 $0x1DA0  }
0x2e: {  	[spmem:s2] =	stream.indirect.scatter.add.f32 [tilespmem:s7], [sflag:$0x1], $0x10, s23, s11, $0xb8;
	[tilespmem:$0x7690] =	vst v63  }
0x2f: {  	s24 =	simm.s32 $0x2018  }
0x30: {  	[spmem:s2] =	stream.indirect.scatter.add.f32 [tilespmem:s7], [sflag:$0x1], $0x10, s24, s11, $0xb8;
	[tilespmem:$0x7690] =	vst v63  }
0x31: {  	s25 =	simm.s32 $0x2290  }
0x32: {  	[spmem:s2] =	stream.indirect.scatter.add.f32 [tilespmem:s7], [sflag:$0x1], $0x10, s25, s11, $0xb8;
	[tilespmem:$0x7690] =	vst v63  }
0x33: {  	s28 =	simm.s32 $0x1;
	s26 =	simm.s32 $0x2508  }
0x34: {  	[spmem:s2] =	stream.indirect.scatter.add.f32 [tilespmem:s7], [sflag:$0x1], $0x10, s26, s11, $0xb8;
	[tilespmem:$0x7690] =	vst v63  }
0x35: {  	_ =	swait.ge [sflag:s28], $0x2710  }
0x36: {  	[sflag:s28] =	ssyncset.done $0x0  }
0x37: {  	[sflag:s28] =	ssyncadd.s32 $0xFFFFD8F0  }
0x38: {  	_ =	swait.ge [sflag:s28], $0x2710  }
0x39: {  	[sflag:s28] =	ssyncset.done $0x0  }
0x3a: {  	[sflag:s28] =	ssyncadd.s32 $0xFFFFD8F0  }
0x3b: {  	_ =	swait.ge [sflag:s28], $0x2710  }
0x3c: {  	[sflag:s28] =	ssyncset.done $0x0  }
0x3d: {  	[sflag:s28] =	ssyncadd.s32 $0xFFFFD8F0  }
0x3e: {  	_ =	swait.ge [sflag:s28], $0x2710  }
0x3f: {  	[sflag:s28] =	ssyncset.done $0x0  }
0x40: {  	[sflag:s28] =	ssyncadd.s32 $0xFFFFD8F0  }
0x41: {  	_ =	swait.ge [sflag:s28], $0x2710  }
0x42: {  	[sflag:s28] =	ssyncset.done $0x0  }
0x43: {  	[sflag:s28] =	ssyncadd.s32 $0xFFFFD8F0  }
0x44: {  	_ =	swait.ge [sflag:s28], $0x2710  }
0x45: {  	[sflag:s28] =	ssyncset.done $0x0  }
0x46: {  	[sflag:s28] =	ssyncadd.s32 $0xFFFFD8F0  }
0x47: {  	_ =	swait.ge [sflag:s28], $0x2710  }
0x48: {  	[sflag:s28] =	ssyncset.done $0x0  }
0x49: {  	[sflag:s28] =	ssyncadd.s32 $0xFFFFD8F0  }
0x4a: {  	_ =	swait.ge [sflag:s28], $0x2710  }
0x4b: {  	[sflag:s28] =	ssyncset.done $0x0  }
0x4c: {  	[sflag:s28] =	ssyncadd.s32 $0xFFFFD8F0  }
0x4d: {  	_ =	swait.ge [sflag:s28], $0x2710  }
0x4e: {  	[sflag:s28] =	ssyncset.done $0x0  }
0x4f: {  	[sflag:s28] =	ssyncadd.s32 $0xFFFFD8F0  }
0x50: {  	_ =	swait.ge [sflag:s28], $0x2710  }
0x51: {  	[sflag:s28] =	ssyncset.done $0x0  }
0x52: {  	[sflag:s28] =	ssyncadd.s32 $0xFFFFD8F0  }
0x53: {  	_ =	swait.ge [sflag:s28], $0x2710  }
0x54: {  	[sflag:s28] =	ssyncset.done $0x0  }
0x55: {  	[sflag:s28] =	ssyncadd.s32 $0xFFFFD8F0  }
0x56: {  	_ =	swait.ge [sflag:s28], $0x2710  }
0x57: {  	[sflag:s28] =	ssyncset.done $0x0  }
0x58: {  	[sflag:s28] =	ssyncadd.s32 $0xFFFFD8F0  }
0x59: {  	_ =	swait.ge [sflag:s28], $0x2710  }
0x5a: {  	[sflag:s28] =	ssyncset.done $0x0  }
0x5b: {  	[sflag:s28] =	ssyncadd.s32 $0xFFFFD8F0  }
0x5c: {  	_ =	swait.ge [sflag:s28], $0x2710  }
0x5d: {  	s1 =	smul.u32 $0x1400, s0;
	[sflag:s28] =	ssyncset.done $0x0  }
0x5e: {  	s31 =	smul.u32 $0x14000, s30;
	[sflag:s28] =	ssyncadd.s32 $0xFFFFD8F0  }
0x5f: {  	s30 =	ssub.s32 $0x2, s30;
	_ =	swait.ge [sflag:s28], $0x2710  }
0x60: {  	s1 =	sadd.s32 s1, s31;
	s31 =	sshrl.u32 s30, $0x1;
	[sflag:s28] =	ssyncset.done $0x0  }
0x61: {  	s30 =	ssub.s32 s30, s31;
	[sflag:s28] =	ssyncadd.s32 $0xFFFFD8F0  }
0x62: {  	s31 =	smax.u32 s30, $0x1;
	_ =	swait.ge [sflag:s28], $0x2710  }
0x63: {  	p0 =	sne.s32 s31, $0x1;
	[sflag:s28] =	ssyncset.done $0x0  }
.Ltmp0:
0x64: {  	s1 =	sshrl.u32 s1, $0x3;
	[sflag:s28] =	ssyncadd.s32 $0xFFFFD8F0;
	(pc) =	sbr.rel @!p0 .LBB2_2-.Ltmp0, $4  }
0x65: {  	s29 =	sadd.s32 s29, s1;
	[bflag:$0x0] =	sbarrier.arrive $0xFFFF  }
0x66: {  	[hbm:s29@s28], [sflag:s9] =	dma.strided [spmem:s10@s4], $0x280, s28, $0x1   }
0x67: {  	_ =	swait.ge [sflag:s4], $0x280  }
0x68: {  	s30 =	sadd.s32 $0xFFFFFFFF, s31;
	[sflag:s4] =	ssyncset.done $0x0  }
.LBB2_1:
0x69: {  	p0 =	sne.s32 s30, $0x1;
	s30 =	sadd.s32 $0xFFFFFFFF, s30;
	[sflag:s4] =	ssyncadd.s32 $0xFFFFFD80  }
0x6a: {  	[tilespmem:s3], [sflag:$0x2] =	stream.linear.gather [hbm4b:s5+s3], $0x2780, $0x38;
	[tilespmem:$0x7690] =	vst v63  }
0x6b: {  	_ =	swait.ge [sflag:s4], $0x2780  }
0x6c: {  	[sflag:s4] =	ssyncset.done $0x0  }
0x6d: {  	[sflag:s4] =	ssyncadd.s32 $0xFFFFD880  }
0x6e: {  	[tilespmem:s7], [sflag:$0x2] =	stream.linear.gather [hbm4b:s6+s3], $0x2710, $0x38;
	[tilespmem:$0x7690] =	vst v63  }
0x6f: {  	_ =	swait.ge [sflag:s4], $0x2710  }
0x70: {  	[sflag:s4] =	ssyncset.done $0x0  }
0x71: {  	[sflag:s4] =	ssyncadd.s32 $0xFFFFD8F0  }
0x72: {  	[spmem:s10], [sflag:s9] =	dma.local [hbm:s8], $0x500  }
0x73: {  	_ =	swait.ge [sflag:s4], $0x500  }
0x74: {  	[sflag:s4] =	ssyncset.done $0x0  }
0x75: {  	[sflag:s4] =	ssyncadd.s32 $0xFFFFFB00  }
0x76: {  	[bflag:$0x0] =	sbarrier.arrive $0xFFFF  }
0x77: {  	[spmem:s2] =	stream.indirect.scatter.add.f32 [tilespmem:s7], [sflag:$0x1], $0x10, s3, s11, $0xb8;
	[tilespmem:$0x7690] =	vst v63  }
0x78: {  	_ = 	snop  }
0x79: {  	[spmem:s2] =	stream.indirect.scatter.add.f32 [tilespmem:s7], [sflag:$0x1], $0x10, s12, s11, $0xb8;
	[tilespmem:$0x7690] =	vst v63  }
0x7a: {  	_ = 	snop  }
0x7b: {  	[spmem:s2] =	stream.indirect.scatter.add.f32 [tilespmem:s7], [sflag:$0x1], $0x10, s13, s11, $0xb8;
	[tilespmem:$0x7690] =	vst v63  }
0x7c: {  	_ = 	snop  }
0x7d: {  	[spmem:s2] =	stream.indirect.scatter.add.f32 [tilespmem:s7], [sflag:$0x1], $0x10, s14, s11, $0xb8;
	[tilespmem:$0x7690] =	vst v63  }
0x7e: {  	_ = 	snop  }
0x7f: {  	[spmem:s2] =	stream.indirect.scatter.add.f32 [tilespmem:s7], [sflag:$0x1], $0x10, s15, s11, $0xb8;
	[tilespmem:$0x7690] =	vst v63  }
0x80: {  	_ = 	snop  }
0x81: {  	[spmem:s2] =	stream.indirect.scatter.add.f32 [tilespmem:s7], [sflag:$0x1], $0x10, s16, s11, $0xb8;
	[tilespmem:$0x7690] =	vst v63  }
0x82: {  	_ = 	snop  }
0x83: {  	[spmem:s2] =	stream.indirect.scatter.add.f32 [tilespmem:s7], [sflag:$0x1], $0x10, s17, s11, $0xb8;
	[tilespmem:$0x7690] =	vst v63  }
0x84: {  	_ = 	snop  }
0x85: {  	[spmem:s2] =	stream.indirect.scatter.add.f32 [tilespmem:s7], [sflag:$0x1], $0x10, s18, s11, $0xb8;
	[tilespmem:$0x7690] =	vst v63  }
0x86: {  	_ = 	snop  }
0x87: {  	[spmem:s2] =	stream.indirect.scatter.add.f32 [tilespmem:s7], [sflag:$0x1], $0x10, s19, s11, $0xb8;
	[tilespmem:$0x7690] =	vst v63  }
0x88: {  	_ = 	snop  }
0x89: {  	[spmem:s2] =	stream.indirect.scatter.add.f32 [tilespmem:s7], [sflag:$0x1], $0x10, s20, s11, $0xb8;
	[tilespmem:$0x7690] =	vst v63  }
0x8a: {  	_ = 	snop  }
0x8b: {  	[spmem:s2] =	stream.indirect.scatter.add.f32 [tilespmem:s7], [sflag:$0x1], $0x10, s21, s11, $0xb8;
	[tilespmem:$0x7690] =	vst v63  }
0x8c: {  	_ = 	snop  }
0x8d: {  	[spmem:s2] =	stream.indirect.scatter.add.f32 [tilespmem:s7], [sflag:$0x1], $0x10, s22, s11, $0xb8;
	[tilespmem:$0x7690] =	vst v63  }
0x8e: {  	_ = 	snop  }
0x8f: {  	[spmem:s2] =	stream.indirect.scatter.add.f32 [tilespmem:s7], [sflag:$0x1], $0x10, s23, s11, $0xb8;
	[tilespmem:$0x7690] =	vst v63  }
0x90: {  	_ = 	snop  }
0x91: {  	[spmem:s2] =	stream.indirect.scatter.add.f32 [tilespmem:s7], [sflag:$0x1], $0x10, s24, s11, $0xb8;
	[tilespmem:$0x7690] =	vst v63  }
0x92: {  	_ = 	snop  }
0x93: {  	[spmem:s2] =	stream.indirect.scatter.add.f32 [tilespmem:s7], [sflag:$0x1], $0x10, s25, s11, $0xb8;
	[tilespmem:$0x7690] =	vst v63  }
0x94: {  	_ = 	snop  }
0x95: {  	[spmem:s2] =	stream.indirect.scatter.add.f32 [tilespmem:s7], [sflag:$0x1], $0x10, s26, s11, $0xb8;
	[tilespmem:$0x7690] =	vst v63  }
0x96: {  	_ =	swait.ge [sflag:s28], $0x2710  }
0x97: {  	[sflag:s28] =	ssyncset.done $0x0  }
0x98: {  	[sflag:s28] =	ssyncadd.s32 $0xFFFFD8F0  }
0x99: {  	_ =	swait.ge [sflag:s28], $0x2710  }
0x9a: {  	[sflag:s28] =	ssyncset.done $0x0  }
0x9b: {  	[sflag:s28] =	ssyncadd.s32 $0xFFFFD8F0  }
0x9c: {  	_ =	swait.ge [sflag:s28], $0x2710  }
0x9d: {  	[sflag:s28] =	ssyncset.done $0x0  }
0x9e: {  	[sflag:s28] =	ssyncadd.s32 $0xFFFFD8F0  }
0x9f: {  	_ =	swait.ge [sflag:s28], $0x2710  }
0xa0: {  	[sflag:s28] =	ssyncset.done $0x0  }
0xa1: {  	[sflag:s28] =	ssyncadd.s32 $0xFFFFD8F0  }
0xa2: {  	_ =	swait.ge [sflag:s28], $0x2710  }
0xa3: {  	[sflag:s28] =	ssyncset.done $0x0  }
0xa4: {  	[sflag:s28] =	ssyncadd.s32 $0xFFFFD8F0  }
0xa5: {  	_ =	swait.ge [sflag:s28], $0x2710  }
0xa6: {  	[sflag:s28] =	ssyncset.done $0x0  }
0xa7: {  	[sflag:s28] =	ssyncadd.s32 $0xFFFFD8F0  }
0xa8: {  	_ =	swait.ge [sflag:s28], $0x2710  }
0xa9: {  	[sflag:s28] =	ssyncset.done $0x0  }
0xaa: {  	[sflag:s28] =	ssyncadd.s32 $0xFFFFD8F0  }
0xab: {  	_ =	swait.ge [sflag:s28], $0x2710  }
0xac: {  	[sflag:s28] =	ssyncset.done $0x0  }
0xad: {  	[sflag:s28] =	ssyncadd.s32 $0xFFFFD8F0  }
0xae: {  	_ =	swait.ge [sflag:s28], $0x2710  }
0xaf: {  	[sflag:s28] =	ssyncset.done $0x0  }
0xb0: {  	[sflag:s28] =	ssyncadd.s32 $0xFFFFD8F0  }
0xb1: {  	_ =	swait.ge [sflag:s28], $0x2710  }
0xb2: {  	[sflag:s28] =	ssyncset.done $0x0  }
0xb3: {  	[sflag:s28] =	ssyncadd.s32 $0xFFFFD8F0  }
0xb4: {  	_ =	swait.ge [sflag:s28], $0x2710  }
0xb5: {  	[sflag:s28] =	ssyncset.done $0x0  }
0xb6: {  	[sflag:s28] =	ssyncadd.s32 $0xFFFFD8F0  }
0xb7: {  	_ =	swait.ge [sflag:s28], $0x2710  }
0xb8: {  	[sflag:s28] =	ssyncset.done $0x0  }
0xb9: {  	[sflag:s28] =	ssyncadd.s32 $0xFFFFD8F0  }
0xba: {  	_ =	swait.ge [sflag:s28], $0x2710  }
0xbb: {  	[sflag:s28] =	ssyncset.done $0x0  }
0xbc: {  	[sflag:s28] =	ssyncadd.s32 $0xFFFFD8F0  }
0xbd: {  	_ =	swait.ge [sflag:s28], $0x2710  }
0xbe: {  	[sflag:s28] =	ssyncset.done $0x0  }
0xbf: {  	[sflag:s28] =	ssyncadd.s32 $0xFFFFD8F0  }
0xc0: {  	_ =	swait.ge [sflag:s28], $0x2710  }
0xc1: {  	[sflag:s28] =	ssyncset.done $0x0  }
0xc2: {  	[sflag:s28] =	ssyncadd.s32 $0xFFFFD8F0  }
0xc3: {  	_ =	swait.ge [sflag:s28], $0x2710  }
0xc4: {  	[sflag:s28] =	ssyncset.done $0x0  }
.Ltmp1:
0xc5: {  	[sflag:s28] =	ssyncadd.s32 $0xFFFFD8F0;
	(pc) =	sbr.rel @p0 .LBB2_1-.Ltmp1, $4  }
0xc6: {  	[bflag:$0x0] =	sbarrier.arrive $0xFFFF  }
0xc7: {  	[hbm:s29@s28], [sflag:s9] =	dma.strided [spmem:s10@s4], $0x280, s28, $0x1   }
0xc8: {  	_ =	swait.ge [sflag:s4], $0x280  }
0xc9: {  	[sflag:s4] =	ssyncset.done $0x0  }
.LBB2_2:
0xca: {  	[sflag:s4] =	ssyncadd.s32 $0xFFFFFD80  }
0xcb: {  	_ =	sfence.sel $0x180000  }
0xcc: {  	[bflag:$0x0] =	sbarrier.arrive $0xFFFF  }
0xcd: {  	_ =	strace $0x90000047  }
0xce: {  	[bflag:$0x2] =	sbarrier.arrive $0xFFFF  }
0xcf: {  	p0 =	sne.s32 s0, $0x0;
	s0 =	rddreg [dreg:$0x3]  }
0xd0: {  	s0 =	sadd.s32 @!p0 $0x100000, s0  }
0xd1: {  	[sflag:s0] =	ssyncadd.tile.s32 @!p0 $0x1;
	_ =	shalt  }
.Lfunc_end2:
_tile_overlayer_lowered:
.L_overlay_start_2:
0xd2: {  	(tag) =	ssettag $0x2  }
0xd3: {  	s0 =	rddreg [dreg:$0x0];
	s2 =	stileid.u32  }
0xd4: {  	s1 =	rddreg [dreg:$0x1];
	p0 =	sne.s32 s2, $0x0  }
0xd5: {  	s3 =	rddreg [dreg:$0x2];
	[bflag:$0x3] =	sbarrier.arrive $0xFFFF;
	s2 =	simm.s32 @!p0 $0x1C02  }
0xd6: {  	[timem:s3], [sflag:s2] =	dma.local @!p0 [hbm:s0], s1  }
0xd7: {  	s0 =	simm.s32 @!p0 $0x2  }
0xd8: {  	_ =	swait.ge @!p0 [sflag:s0], s1  }
0xd9: {  	s1 =	ssub.s32 @!p0 $0x0, s1;
	[sflag:s0] =	ssyncset.done @!p0 $0x0  }
0xda: {  	[sflag:s0] =	ssyncadd.s32 @!p0 s1  }
0xdb: {  	[bflag:$0x3] =	sbarrier.arrive $0xFFFF  }
0xdc: {  	_ =	shalt  }

// kernel: kernel.9.cloned.1.call-start
scs
__scs_entry_jumppad:
0x0: {  	(pc) =	sbr.rel $0x88, $3  }
0x1: {  	(tag) =	ssettag $0x0;
	lr =	simm.s32 $0x1  }
0x2: {  	[smem:$0x3F9B] =	sst lr;
	_ =	strace $0xD0000000  }
0x3: {  	_ = 	snop  }
0x4: {  	_ = 	snop  }
0x5: {  	_ = 	snop  }
0x6: {  	_ = 	snop  }
0x7: {  	_ = 	snop  }
__scs_overlays_trampoline_lowered:
0x8: {  	[smem:$0x3FAA] =	sst s0  }
0x9: {  	[smem:$0x3FAB] =	sst s1  }
0xa: {  	[smem:$0x3FAC] =	sst s2  }
0xb: {  	[smem:$0x3FAD] =	sst s3  }
0xc: {  	[smem:$0x3FAE] =	sst s4  }
0xd: {  	[smem:$0x3FAF] =	sst s5  }
0xe: {  	[smem:$0x3FB0] =	sst s6  }
0xf: {  	[smem:$0x3FB1] =	sst s7  }
0x10: {  	[smem:$0x3FB2] =	sst s8  }
0x11: {  	[smem:$0x3FB3] =	sst s9;
	s0 =	simm.s32 @!p0 $0x0  }
0x12: {  	s1 =	sld [smem:$0x3F99];
	s0 =	simm.s32 @p0 $0x1  }
0x13: {  	[smem:$0x3FB4] =	sst s0;
	s0 =	simm.s32 @!p1 $0x0  }
0x14: {  	s2 =	sld [smem:$0x3F98];
	s0 =	simm.s32 @p1 $0x1  }
0x15: {  	[smem:$0x3FB5] =	sst s0;
	s0 =	simm.s32 @!p2 $0x0  }
0x16: {  	s3 =	sld [smem:$0x3FDB];
	s0 =	simm.s32 @p2 $0x1  }
0x17: {  	s4 =	simm.s32 $0x1BF5;
	[smem:$0x3FB7] =	sst s0  }
0x18: {  	s0 =	sld [smem:$0x3F9A];
	_ =	swait.ge [sflag:s4], $0x0  }
0x19: {  	s7 =	sld [smem:$0x3F9B]  }
0x1a: {  	s8 =	sadd.s32 $0xFFFFE003, lr  }
0x1b: {  	s9 =	sadd.s32 $0xFFFFFEF7, lr;
	s5 =	simm.s32 $0xFFFFFFFF;
	p2 =	slt.u32 s8, $0xFFFFF086  }
0x1c: {  	p1 =	slt.u32 s9, $0xF7A;
	s5 =	simm.s32 @!p2 $0x0  }
0x1d: {  	s5 =	simm.s32 @p1 $0x1;
	p0 =	seq.s32 s7, s2  }
0x1e: {  	s7 =	smul.u32 @!p0 $0xF7A, s2;
	p2 =	seq.s32 @!p0 s5, $0x0  }
0x1f: {  	s9 =	smul.u32 $0xF7A, s1;
	s8 =	simm.s32 @!p0 $0x1BF5;
	p2 =	por !p2, p0  }
0x20: {  	[sflag:s8] =	ssyncset.s32 @!p0 $0xFFFFF086;
	s6 =	sadd.s32 @!p0 s3, s7;
	s7 =	simm.s32 @!p0 $0x108  }
0x21: {  	s3 =	sadd.s32 s3, s9;
	s6 =	sadd.s32 @!p0 $0x88, s6;
	s7 =	simm.s32 @p2 $0x1082  }
0x22: {  	[simem:s7], [sflag:s8] =	dma.local @!p0 [hbm:s6], $0xF7A  }
0x23: {  	s9 =	sor.u32 $0xD0000000, s2;
	s6 =	simm.s32 $0x108;
	_ =	swait.ge @!p0 [sflag:s8], $0x0  }
0x24: {  	s3 =	sadd.s32 $0x88, s3;
	s6 =	simm.s32 @!p1 $0x1082;
	[sflag:s4] =	ssyncset.s32 $0xFFFFF086  }
0x25: {  	[simem:s6], [sflag:s4] =	dma.local [hbm:s3], $0xF7A  }
0x26: {  	[smem:$0x3F9B] =	sst s1;
	(tag) =	ssettag s2;
	_ =	strace s9  }
0x27: {  	s1 =	sld [smem:$0x3FAB]  }
0x28: {  	s2 =	sld [smem:$0x3FAC]  }
0x29: {  	s4 =	sld [smem:$0x3FAE]  }
0x2a: {  	p0 =	seq.s32 s5, $0x0;
	s5 =	sld [smem:$0x3FAF]  }
0x2b: {  	s6 =	sld [smem:$0x3FB0]  }
0x2c: {  	s7 =	sld [smem:$0x3FB1]  }
0x2d: {  	s3 =	simm.s32 $0x108;
	s8 =	sld [smem:$0x3FB2]  }
0x2e: {  	s3 =	simm.s32 @!p0 $0x1082;
	s9 =	sld [smem:$0x3FB3]  }
0x2f: {  	lr =	sadd.s32 s0, s3;
	s0 =	sld [smem:$0x3FAA]  }
0x30: {  	s3 =	sld [smem:$0x3FAD]  }
0x31: {  	[smem:$0x3FB6] =	sst s10  }
0x32: {  	s10 =	sld [smem:$0x3FB4];
	_ =	sdelay $0x3  }
0x33: {  	p0 =	seq.s32 s10, $0x1;
	s10 =	sld [smem:$0x3FB6];
	_ =	sdelay $0x3  }
0x34: {  	[smem:$0x3FB6] =	sst s10  }
0x35: {  	s10 =	sld [smem:$0x3FB5];
	_ =	sdelay $0x3  }
0x36: {  	p1 =	seq.s32 s10, $0x1;
	s10 =	sld [smem:$0x3FB6];
	_ =	sdelay $0x3  }
0x37: {  	[smem:$0x3FB6] =	sst s10  }
0x38: {  	s10 =	sld [smem:$0x3FB7]  }
0x39: {  	_ = 	snop;
	(pc) =	sbr.ind lr, $3  }
0x3a: {  	_ = 	snop  }
0x3b: {  	_ = 	snop  }
0x3c: {  	p2 =	seq.s32 s10, $0x1;
	s10 =	sld [smem:$0x3FB6]  }
0x3d: {  	_ =	shalt  }
0x3e: {  	_ =	shalt  }
0x3f: {  	_ =	shalt  }
0x40: {  	_ =	shalt  }
0x41: {  	_ =	shalt  }
0x42: {  	_ =	shalt  }
0x43: {  	_ =	shalt  }
0x44: {  	_ =	shalt  }
0x45: {  	_ =	shalt  }
0x46: {  	_ =	shalt  }
0x47: {  	_ =	shalt  }
0x48: {  	_ =	shalt  }
0x49: {  	_ =	shalt  }
0x4a: {  	_ =	shalt  }
0x4b: {  	_ =	shalt  }
0x4c: {  	_ =	shalt  }
0x4d: {  	_ =	shalt  }
0x4e: {  	_ =	shalt  }
0x4f: {  	_ =	shalt  }
0x50: {  	_ =	shalt  }
0x51: {  	_ =	shalt  }
0x52: {  	_ =	shalt  }
0x53: {  	_ =	shalt  }
0x54: {  	_ =	shalt  }
0x55: {  	_ =	shalt  }
0x56: {  	_ =	shalt  }
0x57: {  	_ =	shalt  }
0x58: {  	_ =	shalt  }
0x59: {  	_ =	shalt  }
0x5a: {  	_ =	shalt  }
0x5b: {  	_ =	shalt  }
0x5c: {  	_ =	shalt  }
0x5d: {  	_ =	shalt  }
0x5e: {  	_ =	shalt  }
0x5f: {  	_ =	shalt  }
0x60: {  	_ =	shalt  }
0x61: {  	_ =	shalt  }
0x62: {  	_ =	shalt  }
0x63: {  	_ =	shalt  }
0x64: {  	_ =	shalt  }
0x65: {  	_ =	shalt  }
0x66: {  	_ =	shalt  }
0x67: {  	_ =	shalt  }
0x68: {  	_ =	shalt  }
0x69: {  	_ =	shalt  }
0x6a: {  	_ =	shalt  }
0x6b: {  	_ =	shalt  }
0x6c: {  	_ =	shalt  }
0x6d: {  	_ =	shalt  }
0x6e: {  	_ =	shalt  }
0x6f: {  	_ =	shalt  }
0x70: {  	_ =	shalt  }
0x71: {  	_ =	shalt  }
0x72: {  	_ =	shalt  }
0x73: {  	_ =	shalt  }
0x74: {  	_ =	shalt  }
0x75: {  	_ =	shalt  }
0x76: {  	_ =	shalt  }
0x77: {  	_ =	shalt  }
0x78: {  	_ =	shalt  }
0x79: {  	_ =	shalt  }
0x7a: {  	_ =	shalt  }
0x7b: {  	_ =	shalt  }
0x7c: {  	_ =	shalt  }
0x7d: {  	_ =	shalt  }
0x7e: {  	_ =	shalt  }
0x7f: {  	_ =	shalt  }
0x80: {  	_ =	shalt  }
0x81: {  	_ =	shalt  }
0x82: {  	_ =	shalt  }
0x83: {  	_ =	shalt  }
0x84: {  	_ =	shalt  }
0x85: {  	_ =	shalt  }
0x86: {  	_ =	shalt  }
0x87: {  	_ =	shalt  }
.Lfunc_end0:
.L_simem_size_0:
called_computation.1_lowered:
.L_overlay_start_0:
0x88: {  	s2 =	sld [smem:$0x3FD9]  }
0x89: {  	s3 =	sld [smem:$0x3FFE];
	_ =	sdelay $0x1  }
0x8a: {  	s1 =	srdreg.scid  }
0x8b: {  	s0 =	sand.u32 $0x1, s1  }
0x8c: {  	s17 =	sshll.u32 s0, $0xA;
	s2 =	sadd.s32 s3, s2  }
0x8d: {  	s2 =	sadd.s32 s2, s17  }
0x8e: {  	[smem:$0x3FC2] =	sst s2  }
0x8f: {  	_ = 	snop  }
0x90: {  	s2 =	sld [smem:$0x3FD0];
	(tm) =	ssettm $0x1  }
0x91: {  	s18 =	sld [smem:$0x3FFB];
	_ =	sdelay $0x3  }
0x92: {  	_ =	strace s18  }
0x93: {  	s3 =	sld [smem:$0x3FFC];
	_ =	sdelay $0x3  }
0x94: {  	_ =	strace s3  }
0x95: {  	s3 =	sld [smem:$0x3FFD];
	_ =	sdelay $0x3  }
0x96: {  	_ =	strace s3  }
0x97: {  	_ =	strace $0x8FFFFFFF  }
0x98: {  	s19 =	sld [smem:$0x3FDB];
	_ =	sdelay $0x1  }
0x99: {  	s4 =	simm.s32 $_scs_section_size  }
0x9a: {  	s5 =	simm.s32 $_size__tile_overlayer_lowered;
	s6 =	simm.s32 $_tile_overlayer_lowered  }
0x9b: {  	s22 =	simm.s32 $0x1BFF;
	s21 =	sshll.u32 s6, $0x1;
	s3 =	sadd.s32 s4, s19  }
0x9c: {  	s7 =	simm.s32 $0x0;
	s20 =	sshll.u32 s5, $0x1;
	s5 =	sadd.s32 s21, s3  }
0x9d: {  	[timem:s7], [sflag:s22] =	dma.local [hbm:s5], s20  }
0x9e: {  	_ =	swait.ge [sflag:s22], s20  }
0x9f: {  	s4 =	ssub.s32 $0x0, s20;
	[sflag:s22] =	ssyncset.done $0x0  }
0xa0: {  	[sflag:s22] =	ssyncadd.s32 s4;
	_ =	sdelay $0x1  }
0xa1: {  	s23 =	simm.s32 $0x1B8B  }
0xa2: {  	_ =	swait.ge [sflag:s23], $0x1  }
0xa3: {  	[sflag:s23] =	ssyncset.done $0x0  }
0xa4: {  	s25 =	simm.s32 $0x1B8E;
	s24 =	sld [smem:$0x3FFE];
	[sflag:s23] =	ssyncadd.s32 $0xFFFFFFFF  }
0xa5: {  	s26 =	simm.s32 $execute0_lowered;
	[smem:$0x3FD2] =	sst s25  }
0xa6: {  	s5 =	sshll.u32 s26, $0x1;
	_ =	strace $0x80000049;
	[dreg:$0x1] =	wrdreg $0xFFFFFFFF  }
0xa7: {  	s28 =	simm.s32 $_size_execute0_lowered;
	s3 =	sadd.s32 s3, s5;
	[dreg:$0x0] =	wrdreg $0x0  }
0xa8: {  	s5 =	sshll.u32 s28, $0x1;
	[dreg:$0x2] =	wrdreg s3  }
0xa9: {  	[dreg:$0x3] =	wrdreg s5  }
0xaa: {  	[dreg:$0x4] =	wrdreg $0xC0  }
0xab: {  	_ =	task [dreg:s7], $0x5FFFF  }
0xac: {  	[dreg:$0x1] =	wrdreg $0xFFFFFFFF  }
0xad: {  	[dreg:$0x0] =	wrdreg $0x60  }
0xae: {  	[dreg:$0x2] =	wrdreg s2  }
0xaf: {  	[dreg:$0x3] =	wrdreg s24  }
0xb0: {  	[dreg:$0x4] =	wrdreg $0x14C400  }
0xb1: {  	[dreg:$0x5] =	wrdreg $0x9  }
0xb2: {  	_ =	task.clear_ibuf [dreg:s7], $0x6FFFF;
	_ =	strace $0x90000049  }
0xb3: {  	s29 =	simm.s32 $0x9;
	_ =	strace $0x8000004B  }
0xb4: {  	_ =	swait.ge [sflag:s29], $0x1  }
0xb5: {  	[sflag:s29] =	ssyncadd.s32 $0xFFFFFFFF  }
0xb6: {  	_ =	strace $0x9000004B  }
0xb7: {  	_ =	sfence  }
0xb8: {  	s30 =	sld [smem:$0x0];
	_ =	sdelay $0x2  }
0xb9: {  	s31 =	sshll.u32 s1, $0xD;
	s1 =	sshrl.u32 s1, $0x2  }
0xba: {  	s3 =	sand.u32 $0x4000, s31;
	s1 =	sadd.s32 s1, s30  }
0xbb: {  	s0 =	sor.u32 s3, s0;
	s1 =	sshll.u32 s1, $0x11  }
0xbc: {  	s0 =	sor.u32 s1, s0  }
0xbd: {  	s0 =	sadd.s32 $0x8F2B, s0  }
0xbe: {  	[sflag:s0] =	ssyncadd.remote.s32 $0x1  }
0xbf: {  	_ =	sfence.sel $0xFFFF  }
0xc0: {  	[dreg:$0x0] =	wrdreg $0xFFFFFFFF;
	(pc) =	sbr.abs _section_cstart, $3  }
0xc1: {  	[dreg:$0x1] =	wrdreg $0xFFFFFFFF  }
0xc2: {  	_ =	task.clear_ibuf [dreg:s7], $0x2FFFF;
	_ =	strace $0x9FFFFFFF  }
0xc3: {  	(tm) =	ssettm $0x7FFFFFFF  }
tec
execute0_lowered:
.L_overlay_start_1:
0x0: {  	(tag) =	ssettag $0x1  }
0x1: {  	s0 =	rddreg [dreg:$0x0]  }
0x2: {  	s1 =	rddreg [dreg:$0x1]  }
0x3: {  	s2 =	rddreg [dreg:$0x2];
	s4 =	srdreg.scid  }
0x4: {  	s20 =	stileid.u32;
	s3 =	simm.s32 $0x0;
	s16 =	simm.s32 $0x9E0  }
0x5: {  	s17 =	simm.s32 $0x278;
	s28 =	simm.s32 $0xB000;
	s29 =	simm.s32 $0x768  }
0x6: {  	s30 =	simm.s32 $0x1148;
	s31 =	simm.s32 $0x2;
	s11 =	smul.u32 $0xA000, s20  }
0x7: {  	s4 =	sand.u32 $0x1, s4;
	[smem:$0x7FF] =	sst s3;
	s7 =	smul.u32 $0x4F00, s20  }
0x8: {  	s14 =	sadd.s32 $0x1A00, s1;
	s6 =	sadd.s32 $0x15600, s1;
	s15 =	smul.u32 $0x9E0, s20  }
0x9: {  	s26 =	sshll.u32 s20, $0x6;
	s20 =	simm.s32 $0xED0;
	s5 =	smul.u32 $0xA0000, s4  }
0xa: {  	_ =	strace $0x8000004A;
	[dreg:$0x4] =	wrdreg s6;
	s18 =	ssub.s32 $0x2, s4  }
0xb: {  	s4 =	smul.u32 $0x13880, s4;
	s19 =	sshrl.u32 s18, $0x1;
	s8 =	sshrl.u32 s7, $0x3  }
0xc: {  	s21 =	sadd.s32 $0x278, s7;
	s9 =	sadd.s32 $0x4F278, s7;
	s5 =	sadd.s32 s11, s5  }
0xd: {  	s13 =	ssub.s32 s18, s19;
	s24 =	sshrl.u32 s9, $0x3;
	s18 =	simm.s32 $0xC58  }
0xe: {  	s19 =	simm.s32 $0x4F0;
	s5 =	sshrl.u32 s5, $0x3;
	s25 =	sadd.s32 s14, s24  }
0xf: {  	s13 =	smax.u32 s13, $0x1;
	s24 =	simm.s32 $0x13C0;
	s1 =	sadd.s32 s5, s1  }
0x10: {  	s5 =	sadd.s32 s14, s8;
	s8 =	sshrl.u32 s21, $0x3;
	[dreg:$0x7] =	wrdreg s25  }
0x11: {  	s21 =	sor.u32 $0x1C04, s26;
	s25 =	simm.s32 $0x1;
	s26 =	simm.s32 $0x3  }
.Ltmp0:
0x12: {  	s22 =	sadd.s32 $0x9E00, s5;
	s23 =	sadd.s32 s14, s8;
	(pc) =	sbr.rel .LBB2_1-.Ltmp0, $4  }
0x13: {  	s9 =	sadd.s32 $0x9E, s5;
	s10 =	sadd.s32 $0x9E9E, s5;
	s12 =	sadd.s32 $0x16A00, s1  }
0x14: {  	s14 =	sadd.s32 s15, s14;
	s15 =	simm.s32 $0x4;
	[dreg:$0x5] =	wrdreg s22  }
0x15: {  	[dreg:$0x6] =	wrdreg s23;
	s22 =	sadd.s32 s11, s2;
	s11 =	sadd.s32 s0, s4  }
0x16: {  	s23 =	simm.s32 $0x271;
	s0 =	simm.s32 $0x0;
	s22 =	sshrl.u32 s22, $0x3  }
.LBB2_4:
0x17: {  	_ =	swait.ge [sflag:s25], $0x9C40  }
0x18: {  	[sflag:s25] =	ssyncset.done $0x0  }
0x19: {  	[sflag:s25] =	ssyncadd.s32 $0xFFFF63C0  }
0x1a: {  	[spmem:s2] =	stream.indirect.scatter.add.f32 [tilespmem:s28], [sflag:$0x2], $0x40, s30, s23, $0xb8;
	[tilespmem:$0x1EC40] =	vst v63  }
0x1b: {  	_ =	swait.ge [sflag:s31], $0x9C40  }
0x1c: {  	[sflag:s31] =	ssyncset.done $0x0  }
0x1d: {  	[sflag:s31] =	ssyncadd.s32 $0xFFFF63C0  }
0x1e: {  	_ =	swait.ge [sflag:s31], $0x9C40  }
0x1f: {  	s0 =	sadd.s32 $0x1, s0;
	[sflag:s31] =	ssyncset.done $0x0  }
0x20: {  	p0 =	sne.s32 s0, s13;
	[sflag:s31] =	ssyncadd.s32 $0xFFFF63C0  }
.Ltmp1:
0x21: {  	[bflag:$0x0] =	sbarrier.arrive $0xFFFF;
	(pc) =	sbr.rel @!p0 .LBB2_5-.Ltmp1, $4  }
0x22: {  	[hbm:s12], [sflag:s21] =	dma.local [spmem:s22], $0x1400  }
0x23: {  	_ =	swait.ge [sflag:s15], $0x1400  }
0x24: {  	[sflag:s15] =	ssyncset.done $0x0  }
0x25: {  	[sflag:s15] =	ssyncadd.s32 $0xFFFFEC00  }
.LBB2_1:
0x26: {  	[tilespmem:s3], [sflag:$0x4] =	stream.linear.gather [hbm4b:s5+s3], $0x278, $0x38;
	[tilespmem:$0x1EC40] =	vst v63  }
0x27: {  	_ =	swait.ge [sflag:s15], $0x278  }
0x28: {  	[sflag:s15] =	ssyncset.done $0x0  }
0x29: {  	s1 =	rddreg [dreg:$0x5];
	[sflag:s15] =	ssyncadd.s32 $0xFFFFFD88  }
0x2a: {  	[tilespmem:s16], [sflag:$0x4] =	stream.linear.gather [hbm4b:s1+s3], $0x278, $0x38;
	[tilespmem:$0x1EC40] =	vst v63  }
0x2b: {  	_ =	swait.ge [sflag:s15], $0x278  }
0x2c: {  	[sflag:s15] =	ssyncset.done $0x0  }
0x2d: {  	s6 =	rddreg [dreg:$0x6];
	[sflag:s15] =	ssyncadd.s32 $0xFFFFFD88  }
0x2e: {  	[tilespmem:s17], [sflag:$0x3] =	stream.linear.gather [hbm4b:s6+s3], $0x278, $0x38;
	[tilespmem:$0x1EC40] =	vst v63  }
0x2f: {  	s7 =	rddreg [dreg:$0x7]  }
0x30: {  	[tilespmem:s18], [sflag:$0x3] =	stream.linear.gather [hbm4b:s7+s3], $0x278, $0x38;
	[tilespmem:$0x1EC40] =	vst v63  }
0x31: {  	_ = 	snop  }
0x32: {  	[tilespmem:s19], [sflag:$0x3] =	stream.linear.gather [hbm4b:s9+s3], $0x278, $0x38;
	[tilespmem:$0x1EC40] =	vst v63  }
0x33: {  	s8 =	rddreg [dreg:$0x4]  }
0x34: {  	[tilespmem:s20], [sflag:$0x3] =	stream.linear.gather [hbm4b:s10+s3], $0x278, $0x38;
	[tilespmem:$0x1EC40] =	vst v63  }
0x35: {  	[spmem:s22], [sflag:s21] =	dma.local [hbm:s8], $0x1400  }
0x36: {  	_ =	swait.ge [sflag:s15], $0x1400  }
0x37: {  	[sflag:s15] =	ssyncset.done $0x0  }
0x38: {  	[sflag:s15] =	ssyncadd.s32 $0xFFFFEC00  }
0x39: {  	s1 =	simm.s32 $0x0;
	[bflag:$0x0] =	sbarrier.arrive $0xFFFF  }
0x3a: {  	[tilespmem:s24], [sflag:$0x1] =	stream.indirect.gather [hbm4b:s11+s23], $0x40, s3, s23, $0xb8;
	[tilespmem:$0x1EC40] =	vst v63  }
.LBB2_2:
0x3b: {  	_ =	swait.ge [sflag:s25], $0x9C40  }
0x3c: {  	p0 =	seq.s32 s1, $0x0;
	[sflag:s25] =	ssyncset.done $0x0  }
0x3d: {  	s4 =	simm.s32 @!p0 $0x2;
	[sflag:s25] =	ssyncadd.s32 $0xFFFF63C0  }
0x3e: {  	[spmem:s2] =	stream.indirect.scatter.add.f32 [tilespmem:s24], [sflag:$0x2], $0x40, s16, s23, $0xb8;
	[tilespmem:$0x1EC40] =	vst v63  }
0x3f: {  	_ =	swait.ge @!p0 [sflag:s4], $0x9C40  }
0x40: {  	[sflag:s4] =	ssyncset.done @!p0 $0x0  }
0x41: {  	[sflag:s4] =	ssyncadd.s32 @!p0 $0xFFFF63C0  }
0x42: {  	_ =	swait.ge [sflag:s26], $0x278  }
0x43: {  	[sflag:s26] =	ssyncset.done $0x0  }
0x44: {  	[sflag:s26] =	ssyncadd.s32 $0xFFFFFD88  }
0x45: {  	_ =	swait.ge [sflag:s26], $0x278  }
0x46: {  	[sflag:s26] =	ssyncset.done $0x0  }
0x47: {  	s4 =	sadd.s32 s1, s14;
	[sflag:s26] =	ssyncadd.s32 $0xFFFFFD88  }
0x48: {  	[tilespmem:s28], [sflag:$0x1] =	stream.indirect.gather [hbm4b:s11+s23], $0x40, s17, s23, $0xb8;
	[tilespmem:$0x1EC40] =	vst v63  }
0x49: {  	s6 =	sadd.s32 $0xED, s4  }
0x4a: {  	[tilespmem:s29], [sflag:$0x3] =	stream.linear.gather [hbm4b:s6+s3], $0x278, $0x38;
	[tilespmem:$0x1EC40] =	vst v63  }
0x4b: {  	s8 =	sadd.s32 $0x9EED, s4  }
0x4c: {  	[tilespmem:s30], [sflag:$0x3] =	stream.linear.gather [hbm4b:s8+s3], $0x278, $0x38;
	[tilespmem:$0x1EC40] =	vst v63  }
0x4d: {  	_ =	swait.ge [sflag:s25], $0x9C40  }
0x4e: {  	[sflag:s25] =	ssyncset.done $0x0  }
0x4f: {  	[sflag:s25] =	ssyncadd.s32 $0xFFFF63C0  }
0x50: {  	[spmem:s2] =	stream.indirect.scatter.add.f32 [tilespmem:s28], [sflag:$0x2], $0x40, s18, s23, $0xb8;
	[tilespmem:$0x1EC40] =	vst v63  }
0x51: {  	_ =	swait.ge [sflag:s31], $0x9C40  }
0x52: {  	[sflag:s31] =	ssyncset.done $0x0  }
0x53: {  	[sflag:s31] =	ssyncadd.s32 $0xFFFF63C0  }
0x54: {  	_ =	swait.ge [sflag:s26], $0x278  }
0x55: {  	[sflag:s26] =	ssyncset.done $0x0  }
0x56: {  	[sflag:s26] =	ssyncadd.s32 $0xFFFFFD88  }
0x57: {  	_ =	swait.ge [sflag:s26], $0x278  }
0x58: {  	p0 =	seq.s32 s1, $0x8A4;
	[sflag:s26] =	ssyncset.done $0x0  }
0x59: {  	s6 =	sadd.s32 @!p0 s1, s14;
	[sflag:s26] =	ssyncadd.s32 $0xFFFFFD88  }
0x5a: {  	[tilespmem:s24], [sflag:$0x1] =	stream.indirect.gather [hbm4b:s11+s23], $0x40, s19, s23, $0xb8;
	[tilespmem:$0x1EC40] =	vst v63  }
0x5b: {  	s7 =	sadd.s32 @!p0 $0x13C, s6;
	s8 =	simm.s32 @!p0 $0x0  }
0x5c: {  	[tilespmem:s8], [sflag:$0x3] =	stream.linear.gather @!p0 [hbm4b:s7+s8], $0x278, $0x38;
	[tilespmem:$0x1EC40] =	vst v63  }
0x5d: {  	s6 =	sadd.s32 @!p0 $0x9F3C, s6;
	s7 =	simm.s32 @!p0 $0x9E0  }
0x5e: {  	[tilespmem:s7], [sflag:$0x3] =	stream.linear.gather @!p0 [hbm4b:s6+s8], $0x278, $0x38;
	[tilespmem:$0x1EC40] =	vst v63  }
0x5f: {  	_ =	swait.ge [sflag:s25], $0x9C40  }
0x60: {  	[sflag:s25] =	ssyncset.done $0x0  }
0x61: {  	[sflag:s25] =	ssyncadd.s32 $0xFFFF63C0  }
0x62: {  	[spmem:s2] =	stream.indirect.scatter.add.f32 [tilespmem:s24], [sflag:$0x2], $0x40, s20, s23, $0xb8;
	[tilespmem:$0x1EC40] =	vst v63  }
0x63: {  	_ =	swait.ge [sflag:s31], $0x9C40  }
0x64: {  	[sflag:s31] =	ssyncset.done $0x0  }
0x65: {  	[sflag:s31] =	ssyncadd.s32 $0xFFFF63C0  }
0x66: {  	_ =	swait.ge [sflag:s26], $0x278  }
0x67: {  	[sflag:s26] =	ssyncset.done $0x0  }
.Ltmp2:
0x68: {  	[sflag:s26] =	ssyncadd.s32 $0xFFFFFD88;
	(pc) =	sbr.rel @p0 .LBB2_4-.Ltmp2, $4  }
0x69: {  	_ =	swait.ge [sflag:s26], $0x278  }
0x6a: {  	[sflag:s26] =	ssyncset.done $0x0  }
0x6b: {  	[sflag:s26] =	ssyncadd.s32 $0xFFFFFD88  }
0x6c: {  	[tilespmem:s28], [sflag:$0x1] =	stream.indirect.gather [hbm4b:s11+s23], $0x40, s29, s23, $0xb8;
	[tilespmem:$0x1EC40] =	vst v63  }
0x6d: {  	s6 =	sadd.s32 $0x18B, s4  }
0x6e: {  	[tilespmem:s17], [sflag:$0x3] =	stream.linear.gather [hbm4b:s6+s3], $0x278, $0x38;
	[tilespmem:$0x1EC40] =	vst v63  }
0x6f: {  	s8 =	sadd.s32 $0x9F8B, s4  }
0x70: {  	[tilespmem:s18], [sflag:$0x3] =	stream.linear.gather [hbm4b:s8+s3], $0x278, $0x38;
	[tilespmem:$0x1EC40] =	vst v63  }
0x71: {  	_ =	swait.ge [sflag:s25], $0x9C40  }
0x72: {  	[sflag:s25] =	ssyncset.done $0x0  }
0x73: {  	[sflag:s25] =	ssyncadd.s32 $0xFFFF63C0  }
0x74: {  	[spmem:s2] =	stream.indirect.scatter.add.f32 [tilespmem:s28], [sflag:$0x2], $0x40, s30, s23, $0xb8;
	[tilespmem:$0x1EC40] =	vst v63  }
0x75: {  	_ =	swait.ge [sflag:s31], $0x9C40  }
0x76: {  	[sflag:s31] =	ssyncset.done $0x0  }
0x77: {  	[sflag:s31] =	ssyncadd.s32 $0xFFFF63C0  }
0x78: {  	_ =	swait.ge [sflag:s26], $0x278  }
0x79: {  	[sflag:s26] =	ssyncset.done $0x0  }
0x7a: {  	[sflag:s26] =	ssyncadd.s32 $0xFFFFFD88  }
0x7b: {  	_ =	swait.ge [sflag:s26], $0x278  }
0x7c: {  	[sflag:s26] =	ssyncset.done $0x0  }
0x7d: {  	[sflag:s26] =	ssyncadd.s32 $0xFFFFFD88  }
0x7e: {  	[tilespmem:s24], [sflag:$0x1] =	stream.indirect.gather [hbm4b:s11+s23], $0x40, s3, s23, $0xb8;
	[tilespmem:$0x1EC40] =	vst v63  }
.Ltmp3:
0x7f: {  	_ = 	snop;
	(pc) =	sbr.rel .LBB2_2-.Ltmp3, $4  }
0x80: {  	s7 =	sadd.s32 $0x1DA, s4  }
0x81: {  	[tilespmem:s19], [sflag:$0x3] =	stream.linear.gather [hbm4b:s7+s3], $0x278, $0x38;
	[tilespmem:$0x1EC40] =	vst v63  }
0x82: {  	s1 =	sadd.s32 $0x13C, s1;
	s8 =	sadd.s32 $0x9FDA, s4  }
0x83: {  	[tilespmem:s20], [sflag:$0x3] =	stream.linear.gather [hbm4b:s8+s3], $0x278, $0x38;
	[tilespmem:$0x1EC40] =	vst v63  }
.LBB2_5:
0x84: {  	_ =	sfence.sel $0x180000  }
0x85: {  	[bflag:$0x0] =	sbarrier.arrive $0xFFFF  }
0x86: {  	_ =	strace $0x9000004A  }
0x87: {  	s0 =	stileid.u32;
	[bflag:$0x2] =	sbarrier.arrive $0xFFFF  }
0x88: {  	p0 =	sne.s32 s0, $0x0;
	s0 =	rddreg [dreg:$0x3]  }
0x89: {  	s0 =	sadd.s32 @!p0 $0x100000, s0  }
0x8a: {  	[sflag:s0] =	ssyncadd.tile.s32 @!p0 $0x1;
	_ =	shalt  }
.Lfunc_end2:
_tile_overlayer_lowered:
.L_overlay_start_2:
0x8b: {  	(tag) =	ssettag $0x2  }
0x8c: {  	s0 =	rddreg [dreg:$0x0];
	s2 =	stileid.u32  }
0x8d: {  	s1 =	rddreg [dreg:$0x1];
	p0 =	sne.s32 s2, $0x0  }
0x8e: {  	s3 =	rddreg [dreg:$0x2];
	[bflag:$0x3] =	sbarrier.arrive $0xFFFF;
	s2 =	simm.s32 @!p0 $0x1C04  }
0x8f: {  	[timem:s3], [sflag:s2] =	dma.local @!p0 [hbm:s0], s1  }
0x90: {  	s0 =	simm.s32 @!p0 $0x4  }
0x91: {  	_ =	swait.ge @!p0 [sflag:s0], s1  }
0x92: {  	s1 =	ssub.s32 @!p0 $0x0, s1;
	[sflag:s0] =	ssyncset.done @!p0 $0x0  }
0x93: {  	[sflag:s0] =	ssyncadd.s32 @!p0 s1  }
0x94: {  	[bflag:$0x3] =	sbarrier.arrive $0xFFFF  }
0x95: {  	_ =	shalt  }

</sc_bundles>
